<compile_context>
chip_gen: v7x
topology: tpu7x:2x2x1
jax: 0.10.2.dev20260603
libtpu: 0.0.44.dev20260713+nightly
codegen_flags: <defaults>
</compile_context>

<pallas_src>
import functools

import jax
import jax.numpy as jnp
from jax import lax
from jax.experimental import pallas as pl
from jax.experimental.pallas import tpu as pltpu
from jax.experimental.pallas import tpu_sc as plsc

NC = 2
NS = 16
NW = NC * NS
L = 16
EPS = 1e-5


def _rsqrt(x):
    i = lax.bitcast_convert_type(x, jnp.int32)
    i = jnp.int32(0x5F3759DF) - lax.shift_right_logical(i, 1)
    y = lax.bitcast_convert_type(i, jnp.float32)
    for _ in range(3):
        y = y * (1.5 - 0.5 * x * y * y)
    return y


def kernel(input_ids, token_table, pos_table, gamma, beta):
    B, S = input_ids.shape
    V, D = token_table.shape
    assert B % NW == 0 and D == 2 * L
    spw = B // NW

    @functools.partial(
        pl.kernel,
        out_type=jax.ShapeDtypeStruct((B, S, D), jnp.float32),
        mesh=plsc.VectorSubcoreMesh(core_axis_name="c", subcore_axis_name="s"),
        compiler_params=pltpu.CompilerParams(
            needs_layout_passes=False, use_tc_tiling_on_sc=False),
        scratch_types=[
            pltpu.VMEM((spw, S), jnp.int32),
            pltpu.VMEM((S, D), jnp.float32),
            pltpu.VMEM((S, D), jnp.float32),
            pltpu.VMEM((S, D), jnp.float32),
            pltpu.VMEM((D,), jnp.float32),
            pltpu.VMEM((D,), jnp.float32),
            pltpu.SemaphoreType.DMA,
        ],
    )
    def run(ids_hbm, tok_hbm, pos_hbm, g_hbm, b_hbm, out_hbm,
            idx_v, rows_v, pos_v, outb_v, g_v, b_v, sem):
        wid = lax.axis_index("s") * NC + lax.axis_index("c")
        base = wid * spw
        pltpu.sync_copy(ids_hbm.at[pl.ds(base, spw), :], idx_v)
        pltpu.sync_copy(pos_hbm, pos_v)
        pltpu.sync_copy(g_hbm, g_v)
        pltpu.sync_copy(b_hbm, b_v)
        g0 = g_v[0:L]
        g1 = g_v[L:D]
        bt0 = b_v[0:L]
        bt1 = b_v[L:D]

        def seq_body(i, carry):
            pltpu.async_copy(tok_hbm.at[idx_v.at[i]], rows_v, sem).wait()

            def tok_body(j, c2):
                x0 = rows_v[j, 0:L] + pos_v[j, 0:L]
                x1 = rows_v[j, L:D] + pos_v[j, L:D]
                m = jnp.sum(x0 + x1) * (1.0 / D)
                d0 = x0 - m
                d1 = x1 - m
                var = jnp.sum(d0 * d0 + d1 * d1) * (1.0 / D)
                r = _rsqrt(var + EPS)
                outb_v[j, 0:L] = d0 * r * g0 + bt0
                outb_v[j, L:D] = d1 * r * g1 + bt1
                return c2

            lax.fori_loop(0, S, tok_body, 0, unroll=8)
            pltpu.sync_copy(outb_v, out_hbm.at[base + i])
            return carry

        lax.fori_loop(0, spw, seq_body, 0)

    return run(input_ids.astype(jnp.int32), token_table, pos_table, gamma, beta)

# --- scband reference (transcript-rebuilt; emitter-appended) ---
"""Pipeline reference for scband-embeddings-65395172049029 (READ-ONLY COPY).

The authoritative reference and input builder live on the scoring server;
editing this copy changes nothing except your own understanding.
"""

import jax, jax.numpy as jnp
import numpy as np

VOCAB = 1000000
EMBED = 32
MAX_LEN = 200
BATCH = 4096
SEQ = 200
PAD = 0
EPS = 1e-5


def setup_inputs(seed: int = 0) -> dict:
    key = jax.random.key(seed)
    k_ids, k_tok, k_pos = jax.random.split(key, 3)
    input_ids = jax.random.randint(k_ids, (BATCH, SEQ), 0, VOCAB, dtype=jnp.int64 if jax.config.read('jax_enable_x64') else jnp.int32)
    token_table = jax.random.normal(k_tok, (VOCAB, EMBED), dtype=jnp.float32)
    # padding_idx=0 -> row 0 is zeros (as nn.Embedding initializes it)
    token_table = token_table.at[PAD].set(0.0)
    pos_table = jax.random.normal(k_pos, (MAX_LEN, EMBED), dtype=jnp.float32)
    gamma = jnp.ones((EMBED,), dtype=jnp.float32)
    beta = jnp.zeros((EMBED,), dtype=jnp.float32)
    return {
        'input_ids': input_ids,
        'token_table': token_table,
        'pos_table': pos_table,
        'gamma': gamma,
        'beta': beta,
    }


def reference(input_ids, token_table, pos_table, gamma, beta):
    batch_size, seq_len = input_ids.shape
    positions = jnp.arange(seq_len)
    tok = jnp.take(token_table, input_ids, axis=0)          # [B, S, D]
    pos = jnp.take(pos_table, positions, axis=0)[None, :, :]  # [1, S, D]
    x = tok + pos
    # LayerNorm over last dim (eps matches torch default 1e-5)
    mean = jnp.mean(x, axis=-1, keepdims=True)
    var = jnp.mean(jnp.square(x - mean), axis=-1, keepdims=True)
    x_norm = (x - mean) / jnp.sqrt(var + EPS)
    out = x_norm * gamma + beta
    # dropout is identity in eval mode
    return out

if __name__ == "__main__":
    import jax
    _d = setup_inputs()
    print(jax.jit(kernel)(*tuple(_d.values())))

</pallas_src>

<mosaic_0001>
#map = affine_map<(d0, d1) -> (0, 0)>
#map1 = affine_map<(d0, d1) -> (0)>
#map2 = affine_map<(d0, d1) -> (0, 0, 0)>
module attributes {stable_mosaic.version = 14 : i64} {
  func.func @run(%arg0: i32, %arg1: i32, %arg2: memref<4096x200xi32, #tpu.memory_space<hbm>>, %arg3: memref<1000000x32xf32, #tpu.memory_space<hbm>>, %arg4: memref<200x32xf32, #tpu.memory_space<hbm>>, %arg5: memref<32xf32, #tpu.memory_space<hbm>>, %arg6: memref<32xf32, #tpu.memory_space<hbm>>, %arg7: memref<4096x200x32xf32, #tpu.memory_space<hbm>>, %arg8: memref<128x200xi32, #tpu.memory_space<vmem>>, %arg9: memref<200x32xf32, #tpu.memory_space<vmem>>, %arg10: memref<200x32xf32, #tpu.memory_space<vmem>>, %arg11: memref<200x32xf32, #tpu.memory_space<vmem>>, %arg12: memref<32xf32, #tpu.memory_space<vmem>>, %arg13: memref<32xf32, #tpu.memory_space<vmem>>, %arg14: memref<!tpu.dma_semaphore, #tpu.memory_space<semaphore_mem>>) attributes {dimension_semantics = [#tpu.dimension_semantics<core_parallel>, #tpu.dimension_semantics<subcore_parallel>], iteration_bounds = array<i64: 2, 16>, scalar_prefetch = 0 : i64, scratch_operands = 7 : i64, tpu.core_type = #tpu.core_type<sc_vector_subcore>, window_params = [{transform_indices = #map}, {transform_indices = #map}, {transform_indices = #map}, {transform_indices = #map1}, {transform_indices = #map1}, {transform_indices = #map2}]} {
    %mul3A = arith.constant 2 : i32
    %mul3A_0 = arith.muli %arg1, %mul3A : i32
    %add3A = arith.addi %mul3A_0, %arg0 : i32
    %mul3A_1 = arith.constant 128 : i32
    %mul3A_2 = arith.muli %add3A, %mul3A_1 : i32
    "tpu.region"() ({
      %run_scoped3A = tpu.sem_alloc : memref<!tpu.dma_semaphore, #tpu.memory_space<semaphore_mem>>
      %dma_start3A = arith.constant 0 : i32
      %dma_start3A_15 = tpu.memref_slice %arg2[%mul3A_2, %dma_start3A] : memref<4096x200xi32, #tpu.memory_space<hbm>> -> memref<128x200xi32, #tpu.memory_space<hbm>>
      %dma_start3A_16 = arith.constant 0 : i32
      %dma_start3A_17 = tpu.memref_slice %arg2[%mul3A_2, %dma_start3A_16] : memref<4096x200xi32, #tpu.memory_space<hbm>> -> memref<128x200xi32, #tpu.memory_space<hbm>>
      tpu.enqueue_dma source(%dma_start3A_17 : memref<128x200xi32, #tpu.memory_space<hbm>>) target(%arg8 : memref<128x200xi32, #tpu.memory_space<vmem>>) target_semaphore(%run_scoped3A : memref<!tpu.dma_semaphore, #tpu.memory_space<semaphore_mem>>)
      %dma_wait3A = arith.constant 0 : i32
      %dma_wait3A_18 = tpu.memref_slice %arg2[%mul3A_2, %dma_wait3A] : memref<4096x200xi32, #tpu.memory_space<hbm>> -> memref<128x200xi32, #tpu.memory_space<hbm>>
      %dma_wait3A_19 = arith.constant 0 : i32
      %dma_wait3A_20 = tpu.memref_slice %arg2[%mul3A_2, %dma_wait3A_19] : memref<4096x200xi32, #tpu.memory_space<hbm>> -> memref<128x200xi32, #tpu.memory_space<hbm>>
      tpu.wait_dma2 semaphore(%run_scoped3A : memref<!tpu.dma_semaphore, #tpu.memory_space<semaphore_mem>>) src(%dma_wait3A_20 : memref<128x200xi32, #tpu.memory_space<hbm>>) dst(%arg8 : memref<128x200xi32, #tpu.memory_space<vmem>>)
      tpu.yield
    }) : () -> ()
    "tpu.region"() ({
      %run_scoped3A = tpu.sem_alloc : memref<!tpu.dma_semaphore, #tpu.memory_space<semaphore_mem>>
      tpu.enqueue_dma source(%arg4 : memref<200x32xf32, #tpu.memory_space<hbm>>) target(%arg10 : memref<200x32xf32, #tpu.memory_space<vmem>>) target_semaphore(%run_scoped3A : memref<!tpu.dma_semaphore, #tpu.memory_space<semaphore_mem>>)
      tpu.wait_dma2 semaphore(%run_scoped3A : memref<!tpu.dma_semaphore, #tpu.memory_space<semaphore_mem>>) src(%arg4 : memref<200x32xf32, #tpu.memory_space<hbm>>) dst(%arg10 : memref<200x32xf32, #tpu.memory_space<vmem>>)
      tpu.yield
    }) : () -> ()
    "tpu.region"() ({
      %run_scoped3A = tpu.sem_alloc : memref<!tpu.dma_semaphore, #tpu.memory_space<semaphore_mem>>
      tpu.enqueue_dma source(%arg5 : memref<32xf32, #tpu.memory_space<hbm>>) target(%arg12 : memref<32xf32, #tpu.memory_space<vmem>>) target_semaphore(%run_scoped3A : memref<!tpu.dma_semaphore, #tpu.memory_space<semaphore_mem>>)
      tpu.wait_dma2 semaphore(%run_scoped3A : memref<!tpu.dma_semaphore, #tpu.memory_space<semaphore_mem>>) src(%arg5 : memref<32xf32, #tpu.memory_space<hbm>>) dst(%arg12 : memref<32xf32, #tpu.memory_space<vmem>>)
      tpu.yield
    }) : () -> ()
    "tpu.region"() ({
      %run_scoped3A = tpu.sem_alloc : memref<!tpu.dma_semaphore, #tpu.memory_space<semaphore_mem>>
      tpu.enqueue_dma source(%arg6 : memref<32xf32, #tpu.memory_space<hbm>>) target(%arg13 : memref<32xf32, #tpu.memory_space<vmem>>) target_semaphore(%run_scoped3A : memref<!tpu.dma_semaphore, #tpu.memory_space<semaphore_mem>>)
      tpu.wait_dma2 semaphore(%run_scoped3A : memref<!tpu.dma_semaphore, #tpu.memory_space<semaphore_mem>>) src(%arg6 : memref<32xf32, #tpu.memory_space<hbm>>) dst(%arg13 : memref<32xf32, #tpu.memory_space<vmem>>)
      tpu.yield
    }) : () -> ()
    %get3A = arith.constant 0 : index
    %get3A_3 = tpu.vector_load %arg12[%get3A] {strides = array<i32>} : memref<32xf32, #tpu.memory_space<vmem>>, vector<16xf32>,
    %get3A_4 = arith.constant 16 : index
    %get3A_5 = tpu.vector_load %arg12[%get3A_4] {strides = array<i32>} : memref<32xf32, #tpu.memory_space<vmem>>, vector<16xf32>,
    %get3A_6 = arith.constant 0 : index
    %get3A_7 = tpu.vector_load %arg13[%get3A_6] {strides = array<i32>} : memref<32xf32, #tpu.memory_space<vmem>>, vector<16xf32>,
    %get3A_8 = arith.constant 16 : index
    %get3A_9 = tpu.vector_load %arg13[%get3A_8] {strides = array<i32>} : memref<32xf32, #tpu.memory_space<vmem>>, vector<16xf32>,
    %scan3A = arith.constant 0 : i32
    %scan3A_10 = arith.constant 0 : i32
    %scan3A_11 = arith.constant 128 : i32
    %scan3A_12 = arith.addi %scan3A_10, %scan3A_11 : i32
    %scan3A_13 = arith.constant 1 : i32
    scf.for %scan3A_15 = %scan3A_10 to %scan3A_12 step %scan3A_13  : i32 {
      %dma_start3A = arith.constant 0 : i32
      %dma_start3A_16 = tpu.memref_slice %arg8[%scan3A_15, %dma_start3A] : memref<128x200xi32, #tpu.memory_space<vmem>> -> memref<1x200xi32, #tpu.memory_space<vmem>>
      %dma_start3A_17 = tpu.memref_squeeze %dma_start3A_16 : memref<1x200xi32, #tpu.memory_space<vmem>> -> memref<200xi32, #tpu.memory_space<vmem>>
      %dma_start3A_18 = arith.constant 0 : i32
      %dma_start3A_19 = arith.constant 0 : i32
      %dma_start3A_20 = tpu.memref_slice %arg3[%dma_start3A_18, %dma_start3A_19] : memref<1000000x32xf32, #tpu.memory_space<hbm>> -> memref<1000000x32xf32, #tpu.memory_space<hbm>>
      tpu.enqueue_indirect_dma source(%dma_start3A_20 : memref<1000000x32xf32, #tpu.memory_space<hbm>>) target(%arg9 : memref<200x32xf32, #tpu.memory_space<vmem>>) offsets(%dma_start3A_17 : memref<200xi32, #tpu.memory_space<vmem>>) semaphore(%arg14 : memref<!tpu.dma_semaphore, #tpu.memory_space<semaphore_mem>>)
      %dma_wait3A = arith.constant 0 : i32
      %dma_wait3A_21 = tpu.memref_slice %arg8[%scan3A_15, %dma_wait3A] : memref<128x200xi32, #tpu.memory_space<vmem>> -> memref<1x200xi32, #tpu.memory_space<vmem>>
      %dma_wait3A_22 = tpu.memref_squeeze %dma_wait3A_21 : memref<1x200xi32, #tpu.memory_space<vmem>> -> memref<200xi32, #tpu.memory_space<vmem>>
      %dma_wait3A_23 = arith.constant 0 : i32
      %dma_wait3A_24 = arith.constant 0 : i32
      %dma_wait3A_25 = tpu.memref_slice %arg3[%dma_wait3A_23, %dma_wait3A_24] : memref<1000000x32xf32, #tpu.memory_space<hbm>> -> memref<1000000x32xf32, #tpu.memory_space<hbm>>
      tpu.wait_indirect_dma semaphore(%arg14 : memref<!tpu.dma_semaphore, #tpu.memory_space<semaphore_mem>>) src(%dma_wait3A_25 : memref<1000000x32xf32, #tpu.memory_space<hbm>>) dst(%arg9 : memref<200x32xf32, #tpu.memory_space<vmem>>)
      %scan3A_26 = arith.constant 0 : i32
      %scan3A_27 = arith.constant 0 : i32
      %scan3A_28 = arith.constant 200 : i32
      %scan3A_29 = arith.addi %scan3A_27, %scan3A_28 : i32
      %scan3A_30 = arith.constant 8 : i32
      scf.for %scan3A_33 = %scan3A_27 to %scan3A_29 step %scan3A_30  : i32 {
        %get3A_34 = arith.index_cast %scan3A_33 : i32 to index
        %get3A_35 = arith.constant 0 : index
        %get3A_36 = tpu.vector_load %arg9[%get3A_34, %get3A_35] {strides = array<i32>} : memref<200x32xf32, #tpu.memory_space<vmem>>, vector<16xf32>,
        %get3A_37 = arith.index_cast %scan3A_33 : i32 to index
        %get3A_38 = arith.constant 0 : index
        %get3A_39 = tpu.vector_load %arg10[%get3A_37, %get3A_38] {strides = array<i32>} : memref<200x32xf32, #tpu.memory_space<vmem>>, vector<16xf32>,
        %add3A_40 = arith.addf %get3A_36, %get3A_39 : vector<16xf32>
        %get3A_41 = arith.index_cast %scan3A_33 : i32 to index
        %get3A_42 = arith.constant 16 : index
        %get3A_43 = tpu.vector_load %arg9[%get3A_41, %get3A_42] {strides = array<i32>} : memref<200x32xf32, #tpu.memory_space<vmem>>, vector<16xf32>,
        %get3A_44 = arith.index_cast %scan3A_33 : i32 to index
        %get3A_45 = arith.constant 16 : index
        %get3A_46 = tpu.vector_load %arg10[%get3A_44, %get3A_45] {strides = array<i32>} : memref<200x32xf32, #tpu.memory_space<vmem>>, vector<16xf32>,
        %add3A_47 = arith.addf %get3A_43, %get3A_46 : vector<16xf32>
        %add3A_48 = arith.addf %add3A_40, %add3A_47 : vector<16xf32>
        %reduce_sum3A = arith.constant true
        %reduce_sum3A_49 = vector.broadcast %reduce_sum3A : i1 to vector<16xi1>
        %reduce_sum3A_50 = tpu.scan <sum>, %add3A_48 masked %reduce_sum3A_49 : vector<16xf32>, vector<16xi1> -> vector<16xf32>
        %reduce_sum3A_51 = vector.extract %reduce_sum3A_50[15] : f32 from vector<16xf32>
        %mul3A_52 = arith.constant 3.125000e-02 : f32
        %mul3A_53 = arith.mulf %reduce_sum3A_51, %mul3A_52 : f32
        %sub3A = vector.broadcast %mul3A_53 : f32 to vector<16xf32>
        %sub3A_54 = arith.subf %add3A_40, %sub3A : vector<16xf32>
        %sub3A_55 = vector.broadcast %mul3A_53 : f32 to vector<16xf32>
        %sub3A_56 = arith.subf %add3A_47, %sub3A_55 : vector<16xf32>
        %mul3A_57 = arith.mulf %sub3A_54, %sub3A_54 : vector<16xf32>
        %mul3A_58 = arith.mulf %sub3A_56, %sub3A_56 : vector<16xf32>
        %add3A_59 = arith.addf %mul3A_57, %mul3A_58 : vector<16xf32>
        %reduce_sum3A_60 = arith.constant true
        %reduce_sum3A_61 = vector.broadcast %reduce_sum3A_60 : i1 to vector<16xi1>
        %reduce_sum3A_62 = tpu.scan <sum>, %add3A_59 masked %reduce_sum3A_61 : vector<16xf32>, vector<16xi1> -> vector<16xf32>
        %reduce_sum3A_63 = vector.extract %reduce_sum3A_62[15] : f32 from vector<16xf32>
        %mul3A_64 = arith.constant 3.125000e-02 : f32
        %mul3A_65 = arith.mulf %reduce_sum3A_63, %mul3A_64 : f32
        %add3A_66 = arith.constant 9.99999974E-6 : f32
        %add3A_67 = arith.addf %mul3A_65, %add3A_66 : f32
        %bitcast_convert_type3A = arith.bitcast %add3A_67 : f32 to i32
        %shift_right_logical3A = arith.constant 1 : i32
        %shift_right_logical3A_68 = arith.shrui %bitcast_convert_type3A, %shift_right_logical3A : i32
        %sub3A_69 = arith.constant 1597463007 : i32
        %sub3A_70 = arith.subi %sub3A_69, %shift_right_logical3A_68 : i32
        %bitcast_convert_type3A_71 = arith.bitcast %sub3A_70 : i32 to f32
        %mul3A_72 = arith.constant 5.000000e-01 : f32
        %mul3A_73 = arith.mulf %mul3A_72, %add3A_67 : f32
        %mul3A_74 = arith.mulf %mul3A_73, %bitcast_convert_type3A_71 : f32
        %mul3A_75 = arith.mulf %mul3A_74, %bitcast_convert_type3A_71 : f32
        %sub3A_76 = arith.constant 1.500000e+00 : f32
        %sub3A_77 = arith.subf %sub3A_76, %mul3A_75 : f32
        %mul3A_78 = arith.mulf %bitcast_convert_type3A_71, %sub3A_77 : f32
        %mul3A_79 = arith.constant 5.000000e-01 : f32
        %mul3A_80 = arith.mulf %mul3A_79, %add3A_67 : f32
        %mul3A_81 = arith.mulf %mul3A_80, %mul3A_78 : f32
        %mul3A_82 = arith.mulf %mul3A_81, %mul3A_78 : f32
        %sub3A_83 = arith.constant 1.500000e+00 : f32
        %sub3A_84 = arith.subf %sub3A_83, %mul3A_82 : f32
        %mul3A_85 = arith.mulf %mul3A_78, %sub3A_84 : f32
        %mul3A_86 = arith.constant 5.000000e-01 : f32
        %mul3A_87 = arith.mulf %mul3A_86, %add3A_67 : f32
        %mul3A_88 = arith.mulf %mul3A_87, %mul3A_85 : f32
        %mul3A_89 = arith.mulf %mul3A_88, %mul3A_85 : f32
        %sub3A_90 = arith.constant 1.500000e+00 : f32
        %sub3A_91 = arith.subf %sub3A_90, %mul3A_89 : f32
        %mul3A_92 = arith.mulf %mul3A_85, %sub3A_91 : f32
        %mul3A_93 = vector.broadcast %mul3A_92 : f32 to vector<16xf32>
        %mul3A_94 = arith.mulf %sub3A_54, %mul3A_93 : vector<16xf32>
        %mul3A_95 = arith.mulf %mul3A_94, %get3A_3 : vector<16xf32>
        %add3A_96 = arith.addf %mul3A_95, %get3A_7 : vector<16xf32>
        %swap3A = arith.index_cast %scan3A_33 : i32 to index
        %swap3A_97 = arith.constant 0 : index
        %swap3A_98 = tpu.vector_load %arg11[%swap3A, %swap3A_97] {strides = array<i32>} : memref<200x32xf32, #tpu.memory_space<vmem>>, vector<16xf32>,
        tpu.vector_store %arg11[%swap3A, %swap3A_97], %add3A_96 {strides = array<i32>} : memref<200x32xf32, #tpu.memory_space<vmem>>, vector<16xf32>,
        %mul3A_99 = vector.broadcast %mul3A_92 : f32 to vector<16xf32>
        %mul3A_100 = arith.mulf %sub3A_56, %mul3A_99 : vector<16xf32>
        %mul3A_101 = arith.mulf %mul3A_100, %get3A_5 : vector<16xf32>
        %add3A_102 = arith.addf %mul3A_101, %get3A_9 : vector<16xf32>
        %swap3A_103 = arith.index_cast %scan3A_33 : i32 to index
        %swap3A_104 = arith.constant 16 : index
        %swap3A_105 = tpu.vector_load %arg11[%swap3A_103, %swap3A_104] {strides = array<i32>} : memref<200x32xf32, #tpu.memory_space<vmem>>, vector<16xf32>,
        tpu.vector_store %arg11[%swap3A_103, %swap3A_104], %add3A_102 {strides = array<i32>} : memref<200x32xf32, #tpu.memory_space<vmem>>, vector<16xf32>,
        %scan3A_106 = arith.constant 1 : i32
        %scan3A_107 = arith.addi %scan3A_33, %scan3A_106 : i32
        %get3A_108 = arith.index_cast %scan3A_107 : i32 to index
        %get3A_109 = arith.constant 0 : index
        %get3A_110 = tpu.vector_load %arg9[%get3A_108, %get3A_109] {strides = array<i32>} : memref<200x32xf32, #tpu.memory_space<vmem>>, vector<16xf32>,
        %get3A_111 = arith.index_cast %scan3A_107 : i32 to index
        %get3A_112 = arith.constant 0 : index
        %get3A_113 = tpu.vector_load %arg10[%get3A_111, %get3A_112] {strides = array<i32>} : memref<200x32xf32, #tpu.memory_space<vmem>>, vector<16xf32>,
        %add3A_114 = arith.addf %get3A_110, %get3A_113 : vector<16xf32>
        %get3A_115 = arith.index_cast %scan3A_107 : i32 to index
        %get3A_116 = arith.constant 16 : index
        %get3A_117 = tpu.vector_load %arg9[%get3A_115, %get3A_116] {strides = array<i32>} : memref<200x32xf32, #tpu.memory_space<vmem>>, vector<16xf32>,
        %get3A_118 = arith.index_cast %scan3A_107 : i32 to index
        %get3A_119 = arith.constant 16 : index
        %get3A_120 = tpu.vector_load %arg10[%get3A_118, %get3A_119] {strides = array<i32>} : memref<200x32xf32, #tpu.memory_space<vmem>>, vector<16xf32>,
        %add3A_121 = arith.addf %get3A_117, %get3A_120 : vector<16xf32>
        %add3A_122 = arith.addf %add3A_114, %add3A_121 : vector<16xf32>
        %reduce_sum3A_123 = arith.constant true
        %reduce_sum3A_124 = vector.broadcast %reduce_sum3A_123 : i1 to vector<16xi1>
        %reduce_sum3A_125 = tpu.scan <sum>, %add3A_122 masked %reduce_sum3A_124 : vector<16xf32>, vector<16xi1> -> vector<16xf32>
        %reduce_sum3A_126 = vector.extract %reduce_sum3A_125[15] : f32 from vector<16xf32>
        %mul3A_127 = arith.constant 3.125000e-02 : f32
        %mul3A_128 = arith.mulf %reduce_sum3A_126, %mul3A_127 : f32
        %sub3A_129 = vector.broadcast %mul3A_128 : f32 to vector<16xf32>
        %sub3A_130 = arith.subf %add3A_114, %sub3A_129 : vector<16xf32>
        %sub3A_131 = vector.broadcast %mul3A_128 : f32 to vector<16xf32>
        %sub3A_132 = arith.subf %add3A_121, %sub3A_131 : vector<16xf32>
        %mul3A_133 = arith.mulf %sub3A_130, %sub3A_130 : vector<16xf32>
        %mul3A_134 = arith.mulf %sub3A_132, %sub3A_132 : vector<16xf32>
        %add3A_135 = arith.addf %mul3A_133, %mul3A_134 : vector<16xf32>
        %reduce_sum3A_136 = arith.constant true
        %reduce_sum3A_137 = vector.broadcast %reduce_sum3A_136 : i1 to vector<16xi1>
        %reduce_sum3A_138 = tpu.scan <sum>, %add3A_135 masked %reduce_sum3A_137 : vector<16xf32>, vector<16xi1> -> vector<16xf32>
        %reduce_sum3A_139 = vector.extract %reduce_sum3A_138[15] : f32 from vector<16xf32>
        %mul3A_140 = arith.constant 3.125000e-02 : f32
        %mul3A_141 = arith.mulf %reduce_sum3A_139, %mul3A_140 : f32
        %add3A_142 = arith.constant 9.99999974E-6 : f32
        %add3A_143 = arith.addf %mul3A_141, %add3A_142 : f32
        %bitcast_convert_type3A_144 = arith.bitcast %add3A_143 : f32 to i32
        %shift_right_logical3A_145 = arith.constant 1 : i32
        %shift_right_logical3A_146 = arith.shrui %bitcast_convert_type3A_144, %shift_right_logical3A_145 : i32
        %sub3A_147 = arith.constant 1597463007 : i32
        %sub3A_148 = arith.subi %sub3A_147, %shift_right_logical3A_146 : i32
        %bitcast_convert_type3A_149 = arith.bitcast %sub3A_148 : i32 to f32
        %mul3A_150 = arith.constant 5.000000e-01 : f32
        %mul3A_151 = arith.mulf %mul3A_150, %add3A_143 : f32
        %mul3A_152 = arith.mulf %mul3A_151, %bitcast_convert_type3A_149 : f32
        %mul3A_153 = arith.mulf %mul3A_152, %bitcast_convert_type3A_149 : f32
        %sub3A_154 = arith.constant 1.500000e+00 : f32
        %sub3A_155 = arith.subf %sub3A_154, %mul3A_153 : f32
        %mul3A_156 = arith.mulf %bitcast_convert_type3A_149, %sub3A_155 : f32
        %mul3A_157 = arith.constant 5.000000e-01 : f32
        %mul3A_158 = arith.mulf %mul3A_157, %add3A_143 : f32
        %mul3A_159 = arith.mulf %mul3A_158, %mul3A_156 : f32
        %mul3A_160 = arith.mulf %mul3A_159, %mul3A_156 : f32
        %sub3A_161 = arith.constant 1.500000e+00 : f32
        %sub3A_162 = arith.subf %sub3A_161, %mul3A_160 : f32
        %mul3A_163 = arith.mulf %mul3A_156, %sub3A_162 : f32
        %mul3A_164 = arith.constant 5.000000e-01 : f32
        %mul3A_165 = arith.mulf %mul3A_164, %add3A_143 : f32
        %mul3A_166 = arith.mulf %mul3A_165, %mul3A_163 : f32
        %mul3A_167 = arith.mulf %mul3A_166, %mul3A_163 : f32
        %sub3A_168 = arith.constant 1.500000e+00 : f32
        %sub3A_169 = arith.subf %sub3A_168, %mul3A_167 : f32
        %mul3A_170 = arith.mulf %mul3A_163, %sub3A_169 : f32
        %mul3A_171 = vector.broadcast %mul3A_170 : f32 to vector<16xf32>
        %mul3A_172 = arith.mulf %sub3A_130, %mul3A_171 : vector<16xf32>
        %mul3A_173 = arith.mulf %mul3A_172, %get3A_3 : vector<16xf32>
        %add3A_174 = arith.addf %mul3A_173, %get3A_7 : vector<16xf32>
        %swap3A_175 = arith.index_cast %scan3A_107 : i32 to index
        %swap3A_176 = arith.constant 0 : index
        %swap3A_177 = tpu.vector_load %arg11[%swap3A_175, %swap3A_176] {strides = array<i32>} : memref<200x32xf32, #tpu.memory_space<vmem>>, vector<16xf32>,
        tpu.vector_store %arg11[%swap3A_175, %swap3A_176], %add3A_174 {strides = array<i32>} : memref<200x32xf32, #tpu.memory_space<vmem>>, vector<16xf32>,
        %mul3A_178 = vector.broadcast %mul3A_170 : f32 to vector<16xf32>
        %mul3A_179 = arith.mulf %sub3A_132, %mul3A_178 : vector<16xf32>
        %mul3A_180 = arith.mulf %mul3A_179, %get3A_5 : vector<16xf32>
        %add3A_181 = arith.addf %mul3A_180, %get3A_9 : vector<16xf32>
        %swap3A_182 = arith.index_cast %scan3A_107 : i32 to index
        %swap3A_183 = arith.constant 16 : index
        %swap3A_184 = tpu.vector_load %arg11[%swap3A_182, %swap3A_183] {strides = array<i32>} : memref<200x32xf32, #tpu.memory_space<vmem>>, vector<16xf32>,
        tpu.vector_store %arg11[%swap3A_182, %swap3A_183], %add3A_181 {strides = array<i32>} : memref<200x32xf32, #tpu.memory_space<vmem>>, vector<16xf32>,
        %scan3A_185 = arith.constant 2 : i32
        %scan3A_186 = arith.addi %scan3A_33, %scan3A_185 : i32
        %get3A_187 = arith.index_cast %scan3A_186 : i32 to index
        %get3A_188 = arith.constant 0 : index
        %get3A_189 = tpu.vector_load %arg9[%get3A_187, %get3A_188] {strides = array<i32>} : memref<200x32xf32, #tpu.memory_space<vmem>>, vector<16xf32>,
        %get3A_190 = arith.index_cast %scan3A_186 : i32 to index
        %get3A_191 = arith.constant 0 : index
        %get3A_192 = tpu.vector_load %arg10[%get3A_190, %get3A_191] {strides = array<i32>} : memref<200x32xf32, #tpu.memory_space<vmem>>, vector<16xf32>,
        %add3A_193 = arith.addf %get3A_189, %get3A_192 : vector<16xf32>
        %get3A_194 = arith.index_cast %scan3A_186 : i32 to index
        %get3A_195 = arith.constant 16 : index
        %get3A_196 = tpu.vector_load %arg9[%get3A_194, %get3A_195] {strides = array<i32>} : memref<200x32xf32, #tpu.memory_space<vmem>>, vector<16xf32>,
        %get3A_197 = arith.index_cast %scan3A_186 : i32 to index
        %get3A_198 = arith.constant 16 : index
        %get3A_199 = tpu.vector_load %arg10[%get3A_197, %get3A_198] {strides = array<i32>} : memref<200x32xf32, #tpu.memory_space<vmem>>, vector<16xf32>,
        %add3A_200 = arith.addf %get3A_196, %get3A_199 : vector<16xf32>
        %add3A_201 = arith.addf %add3A_193, %add3A_200 : vector<16xf32>
        %reduce_sum3A_202 = arith.constant true
        %reduce_sum3A_203 = vector.broadcast %reduce_sum3A_202 : i1 to vector<16xi1>
        %reduce_sum3A_204 = tpu.scan <sum>, %add3A_201 masked %reduce_sum3A_203 : vector<16xf32>, vector<16xi1> -> vector<16xf32>
        %reduce_sum3A_205 = vector.extract %reduce_sum3A_204[15] : f32 from vector<16xf32>
        %mul3A_206 = arith.constant 3.125000e-02 : f32
        %mul3A_207 = arith.mulf %reduce_sum3A_205, %mul3A_206 : f32
        %sub3A_208 = vector.broadcast %mul3A_207 : f32 to vector<16xf32>
        %sub3A_209 = arith.subf %add3A_193, %sub3A_208 : vector<16xf32>
        %sub3A_210 = vector.broadcast %mul3A_207 : f32 to vector<16xf32>
        %sub3A_211 = arith.subf %add3A_200, %sub3A_210 : vector<16xf32>
        %mul3A_212 = arith.mulf %sub3A_209, %sub3A_209 : vector<16xf32>
        %mul3A_213 = arith.mulf %sub3A_211, %sub3A_211 : vector<16xf32>
        %add3A_214 = arith.addf %mul3A_212, %mul3A_213 : vector<16xf32>
        %reduce_sum3A_215 = arith.constant true
        %reduce_sum3A_216 = vector.broadcast %reduce_sum3A_215 : i1 to vector<16xi1>
        %reduce_sum3A_217 = tpu.scan <sum>, %add3A_214 masked %reduce_sum3A_216 : vector<16xf32>, vector<16xi1> -> vector<16xf32>
        %reduce_sum3A_218 = vector.extract %reduce_sum3A_217[15] : f32 from vector<16xf32>
        %mul3A_219 = arith.constant 3.125000e-02 : f32
        %mul3A_220 = arith.mulf %reduce_sum3A_218, %mul3A_219 : f32
        %add3A_221 = arith.constant 9.99999974E-6 : f32
        %add3A_222 = arith.addf %mul3A_220, %add3A_221 : f32
        %bitcast_convert_type3A_223 = arith.bitcast %add3A_222 : f32 to i32
        %shift_right_logical3A_224 = arith.constant 1 : i32
        %shift_right_logical3A_225 = arith.shrui %bitcast_convert_type3A_223, %shift_right_logical3A_224 : i32
        %sub3A_226 = arith.constant 1597463007 : i32
        %sub3A_227 = arith.subi %sub3A_226, %shift_right_logical3A_225 : i32
        %bitcast_convert_type3A_228 = arith.bitcast %sub3A_227 : i32 to f32
        %mul3A_229 = arith.constant 5.000000e-01 : f32
        %mul3A_230 = arith.mulf %mul3A_229, %add3A_222 : f32
        %mul3A_231 = arith.mulf %mul3A_230, %bitcast_convert_type3A_228 : f32
        %mul3A_232 = arith.mulf %mul3A_231, %bitcast_convert_type3A_228 : f32
        %sub3A_233 = arith.constant 1.500000e+00 : f32
        %sub3A_234 = arith.subf %sub3A_233, %mul3A_232 : f32
        %mul3A_235 = arith.mulf %bitcast_convert_type3A_228, %sub3A_234 : f32
        %mul3A_236 = arith.constant 5.000000e-01 : f32
        %mul3A_237 = arith.mulf %mul3A_236, %add3A_222 : f32
        %mul3A_238 = arith.mulf %mul3A_237, %mul3A_235 : f32
        %mul3A_239 = arith.mulf %mul3A_238, %mul3A_235 : f32
        %sub3A_240 = arith.constant 1.500000e+00 : f32
        %sub3A_241 = arith.subf %sub3A_240, %mul3A_239 : f32
        %mul3A_242 = arith.mulf %mul3A_235, %sub3A_241 : f32
        %mul3A_243 = arith.constant 5.000000e-01 : f32
        %mul3A_244 = arith.mulf %mul3A_243, %add3A_222 : f32
        %mul3A_245 = arith.mulf %mul3A_244, %mul3A_242 : f32
        %mul3A_246 = arith.mulf %mul3A_245, %mul3A_242 : f32
        %sub3A_247 = arith.constant 1.500000e+00 : f32
        %sub3A_248 = arith.subf %sub3A_247, %mul3A_246 : f32
        %mul3A_249 = arith.mulf %mul3A_242, %sub3A_248 : f32
        %mul3A_250 = vector.broadcast %mul3A_249 : f32 to vector<16xf32>
        %mul3A_251 = arith.mulf %sub3A_209, %mul3A_250 : vector<16xf32>
        %mul3A_252 = arith.mulf %mul3A_251, %get3A_3 : vector<16xf32>
        %add3A_253 = arith.addf %mul3A_252, %get3A_7 : vector<16xf32>
        %swap3A_254 = arith.index_cast %scan3A_186 : i32 to index
        %swap3A_255 = arith.constant 0 : index
        %swap3A_256 = tpu.vector_load %arg11[%swap3A_254, %swap3A_255] {strides = array<i32>} : memref<200x32xf32, #tpu.memory_space<vmem>>, vector<16xf32>,
        tpu.vector_store %arg11[%swap3A_254, %swap3A_255], %add3A_253 {strides = array<i32>} : memref<200x32xf32, #tpu.memory_space<vmem>>, vector<16xf32>,
        %mul3A_257 = vector.broadcast %mul3A_249 : f32 to vector<16xf32>
        %mul3A_258 = arith.mulf %sub3A_211, %mul3A_257 : vector<16xf32>
        %mul3A_259 = arith.mulf %mul3A_258, %get3A_5 : vector<16xf32>
        %add3A_260 = arith.addf %mul3A_259, %get3A_9 : vector<16xf32>
        %swap3A_261 = arith.index_cast %scan3A_186 : i32 to index
        %swap3A_262 = arith.constant 16 : index
        %swap3A_263 = tpu.vector_load %arg11[%swap3A_261, %swap3A_262] {strides = array<i32>} : memref<200x32xf32, #tpu.memory_space<vmem>>, vector<16xf32>,
        tpu.vector_store %arg11[%swap3A_261, %swap3A_262], %add3A_260 {strides = array<i32>} : memref<200x32xf32, #tpu.memory_space<vmem>>, vector<16xf32>,
        %scan3A_264 = arith.constant 3 : i32
        %scan3A_265 = arith.addi %scan3A_33, %scan3A_264 : i32
        %get3A_266 = arith.index_cast %scan3A_265 : i32 to index
        %get3A_267 = arith.constant 0 : index
        %get3A_268 = tpu.vector_load %arg9[%get3A_266, %get3A_267] {strides = array<i32>} : memref<200x32xf32, #tpu.memory_space<vmem>>, vector<16xf32>,
        %get3A_269 = arith.index_cast %scan3A_265 : i32 to index
        %get3A_270 = arith.constant 0 : index
        %get3A_271 = tpu.vector_load %arg10[%get3A_269, %get3A_270] {strides = array<i32>} : memref<200x32xf32, #tpu.memory_space<vmem>>, vector<16xf32>,
        %add3A_272 = arith.addf %get3A_268, %get3A_271 : vector<16xf32>
        %get3A_273 = arith.index_cast %scan3A_265 : i32 to index
        %get3A_274 = arith.constant 16 : index
        %get3A_275 = tpu.vector_load %arg9[%get3A_273, %get3A_274] {strides = array<i32>} : memref<200x32xf32, #tpu.memory_space<vmem>>, vector<16xf32>,
        %get3A_276 = arith.index_cast %scan3A_265 : i32 to index
        %get3A_277 = arith.constant 16 : index
        %get3A_278 = tpu.vector_load %arg10[%get3A_276, %get3A_277] {strides = array<i32>} : memref<200x32xf32, #tpu.memory_space<vmem>>, vector<16xf32>,
        %add3A_279 = arith.addf %get3A_275, %get3A_278 : vector<16xf32>
        %add3A_280 = arith.addf %add3A_272, %add3A_279 : vector<16xf32>
        %reduce_sum3A_281 = arith.constant true
        %reduce_sum3A_282 = vector.broadcast %reduce_sum3A_281 : i1 to vector<16xi1>
        %reduce_sum3A_283 = tpu.scan <sum>, %add3A_280 masked %reduce_sum3A_282 : vector<16xf32>, vector<16xi1> -> vector<16xf32>
        %reduce_sum3A_284 = vector.extract %reduce_sum3A_283[15] : f32 from vector<16xf32>
        %mul3A_285 = arith.constant 3.125000e-02 : f32
        %mul3A_286 = arith.mulf %reduce_sum3A_284, %mul3A_285 : f32
        %sub3A_287 = vector.broadcast %mul3A_286 : f32 to vector<16xf32>
        %sub3A_288 = arith.subf %add3A_272, %sub3A_287 : vector<16xf32>
        %sub3A_289 = vector.broadcast %mul3A_286 : f32 to vector<16xf32>
        %sub3A_290 = arith.subf %add3A_279, %sub3A_289 : vector<16xf32>
        %mul3A_291 = arith.mulf %sub3A_288, %sub3A_288 : vector<16xf32>
        %mul3A_292 = arith.mulf %sub3A_290, %sub3A_290 : vector<16xf32>
        %add3A_293 = arith.addf %mul3A_291, %mul3A_292 : vector<16xf32>
        %reduce_sum3A_294 = arith.constant true
        %reduce_sum3A_295 = vector.broadcast %reduce_sum3A_294 : i1 to vector<16xi1>
        %reduce_sum3A_296 = tpu.scan <sum>, %add3A_293 masked %reduce_sum3A_295 : vector<16xf32>, vector<16xi1> -> vector<16xf32>
        %reduce_sum3A_297 = vector.extract %reduce_sum3A_296[15] : f32 from vector<16xf32>
        %mul3A_298 = arith.constant 3.125000e-02 : f32
        %mul3A_299 = arith.mulf %reduce_sum3A_297, %mul3A_298 : f32
        %add3A_300 = arith.constant 9.99999974E-6 : f32
        %add3A_301 = arith.addf %mul3A_299, %add3A_300 : f32
        %bitcast_convert_type3A_302 = arith.bitcast %add3A_301 : f32 to i32
        %shift_right_logical3A_303 = arith.constant 1 : i32
        %shift_right_logical3A_304 = arith.shrui %bitcast_convert_type3A_302, %shift_right_logical3A_303 : i32
        %sub3A_305 = arith.constant 1597463007 : i32
        %sub3A_306 = arith.subi %sub3A_305, %shift_right_logical3A_304 : i32
        %bitcast_convert_type3A_307 = arith.bitcast %sub3A_306 : i32 to f32
        %mul3A_308 = arith.constant 5.000000e-01 : f32
        %mul3A_309 = arith.mulf %mul3A_308, %add3A_301 : f32
        %mul3A_310 = arith.mulf %mul3A_309, %bitcast_convert_type3A_307 : f32
        %mul3A_311 = arith.mulf %mul3A_310, %bitcast_convert_type3A_307 : f32
        %sub3A_312 = arith.constant 1.500000e+00 : f32
        %sub3A_313 = arith.subf %sub3A_312, %mul3A_311 : f32
        %mul3A_314 = arith.mulf %bitcast_convert_type3A_307, %sub3A_313 : f32
        %mul3A_315 = arith.constant 5.000000e-01 : f32
        %mul3A_316 = arith.mulf %mul3A_315, %add3A_301 : f32
        %mul3A_317 = arith.mulf %mul3A_316, %mul3A_314 : f32
        %mul3A_318 = arith.mulf %mul3A_317, %mul3A_314 : f32
        %sub3A_319 = arith.constant 1.500000e+00 : f32
        %sub3A_320 = arith.subf %sub3A_319, %mul3A_318 : f32
        %mul3A_321 = arith.mulf %mul3A_314, %sub3A_320 : f32
        %mul3A_322 = arith.constant 5.000000e-01 : f32
        %mul3A_323 = arith.mulf %mul3A_322, %add3A_301 : f32
        %mul3A_324 = arith.mulf %mul3A_323, %mul3A_321 : f32
        %mul3A_325 = arith.mulf %mul3A_324, %mul3A_321 : f32
        %sub3A_326 = arith.constant 1.500000e+00 : f32
        %sub3A_327 = arith.subf %sub3A_326, %mul3A_325 : f32
        %mul3A_328 = arith.mulf %mul3A_321, %sub3A_327 : f32
        %mul3A_329 = vector.broadcast %mul3A_328 : f32 to vector<16xf32>
        %mul3A_330 = arith.mulf %sub3A_288, %mul3A_329 : vector<16xf32>
        %mul3A_331 = arith.mulf %mul3A_330, %get3A_3 : vector<16xf32>
        %add3A_332 = arith.addf %mul3A_331, %get3A_7 : vector<16xf32>
        %swap3A_333 = arith.index_cast %scan3A_265 : i32 to index
        %swap3A_334 = arith.constant 0 : index
        %swap3A_335 = tpu.vector_load %arg11[%swap3A_333, %swap3A_334] {strides = array<i32>} : memref<200x32xf32, #tpu.memory_space<vmem>>, vector<16xf32>,
        tpu.vector_store %arg11[%swap3A_333, %swap3A_334], %add3A_332 {strides = array<i32>} : memref<200x32xf32, #tpu.memory_space<vmem>>, vector<16xf32>,
        %mul3A_336 = vector.broadcast %mul3A_328 : f32 to vector<16xf32>
        %mul3A_337 = arith.mulf %sub3A_290, %mul3A_336 : vector<16xf32>
        %mul3A_338 = arith.mulf %mul3A_337, %get3A_5 : vector<16xf32>
        %add3A_339 = arith.addf %mul3A_338, %get3A_9 : vector<16xf32>
        %swap3A_340 = arith.index_cast %scan3A_265 : i32 to index
        %swap3A_341 = arith.constant 16 : index
        %swap3A_342 = tpu.vector_load %arg11[%swap3A_340, %swap3A_341] {strides = array<i32>} : memref<200x32xf32, #tpu.memory_space<vmem>>, vector<16xf32>,
        tpu.vector_store %arg11[%swap3A_340, %swap3A_341], %add3A_339 {strides = array<i32>} : memref<200x32xf32, #tpu.memory_space<vmem>>, vector<16xf32>,
        %scan3A_343 = arith.constant 4 : i32
        %scan3A_344 = arith.addi %scan3A_33, %scan3A_343 : i32
        %get3A_345 = arith.index_cast %scan3A_344 : i32 to index
        %get3A_346 = arith.constant 0 : index
        %get3A_347 = tpu.vector_load %arg9[%get3A_345, %get3A_346] {strides = array<i32>} : memref<200x32xf32, #tpu.memory_space<vmem>>, vector<16xf32>,
        %get3A_348 = arith.index_cast %scan3A_344 : i32 to index
        %get3A_349 = arith.constant 0 : index
        %get3A_350 = tpu.vector_load %arg10[%get3A_348, %get3A_349] {strides = array<i32>} : memref<200x32xf32, #tpu.memory_space<vmem>>, vector<16xf32>,
        %add3A_351 = arith.addf %get3A_347, %get3A_350 : vector<16xf32>
        %get3A_352 = arith.index_cast %scan3A_344 : i32 to index
        %get3A_353 = arith.constant 16 : index
        %get3A_354 = tpu.vector_load %arg9[%get3A_352, %get3A_353] {strides = array<i32>} : memref<200x32xf32, #tpu.memory_space<vmem>>, vector<16xf32>,
        %get3A_355 = arith.index_cast %scan3A_344 : i32 to index
        %get3A_356 = arith.constant 16 : index
        %get3A_357 = tpu.vector_load %arg10[%get3A_355, %get3A_356] {strides = array<i32>} : memref<200x32xf32, #tpu.memory_space<vmem>>, vector<16xf32>,
        %add3A_358 = arith.addf %get3A_354, %get3A_357 : vector<16xf32>
        %add3A_359 = arith.addf %add3A_351, %add3A_358 : vector<16xf32>
        %reduce_sum3A_360 = arith.constant true
        %reduce_sum3A_361 = vector.broadcast %reduce_sum3A_360 : i1 to vector<16xi1>
        %reduce_sum3A_362 = tpu.scan <sum>, %add3A_359 masked %reduce_sum3A_361 : vector<16xf32>, vector<16xi1> -> vector<16xf32>
        %reduce_sum3A_363 = vector.extract %reduce_sum3A_362[15] : f32 from vector<16xf32>
        %mul3A_364 = arith.constant 3.125000e-02 : f32
        %mul3A_365 = arith.mulf %reduce_sum3A_363, %mul3A_364 : f32
        %sub3A_366 = vector.broadcast %mul3A_365 : f32 to vector<16xf32>
        %sub3A_367 = arith.subf %add3A_351, %sub3A_366 : vector<16xf32>
        %sub3A_368 = vector.broadcast %mul3A_365 : f32 to vector<16xf32>
        %sub3A_369 = arith.subf %add3A_358, %sub3A_368 : vector<16xf32>
        %mul3A_370 = arith.mulf %sub3A_367, %sub3A_367 : vector<16xf32>
        %mul3A_371 = arith.mulf %sub3A_369, %sub3A_369 : vector<16xf32>
        %add3A_372 = arith.addf %mul3A_370, %mul3A_371 : vector<16xf32>
        %reduce_sum3A_373 = arith.constant true
        %reduce_sum3A_374 = vector.broadcast %reduce_sum3A_373 : i1 to vector<16xi1>
        %reduce_sum3A_375 = tpu.scan <sum>, %add3A_372 masked %reduce_sum3A_374 : vector<16xf32>, vector<16xi1> -> vector<16xf32>
        %reduce_sum3A_376 = vector.extract %reduce_sum3A_375[15] : f32 from vector<16xf32>
        %mul3A_377 = arith.constant 3.125000e-02 : f32
        %mul3A_378 = arith.mulf %reduce_sum3A_376, %mul3A_377 : f32
        %add3A_379 = arith.constant 9.99999974E-6 : f32
        %add3A_380 = arith.addf %mul3A_378, %add3A_379 : f32
        %bitcast_convert_type3A_381 = arith.bitcast %add3A_380 : f32 to i32
        %shift_right_logical3A_382 = arith.constant 1 : i32
        %shift_right_logical3A_383 = arith.shrui %bitcast_convert_type3A_381, %shift_right_logical3A_382 : i32
        %sub3A_384 = arith.constant 1597463007 : i32
        %sub3A_385 = arith.subi %sub3A_384, %shift_right_logical3A_383 : i32
        %bitcast_convert_type3A_386 = arith.bitcast %sub3A_385 : i32 to f32
        %mul3A_387 = arith.constant 5.000000e-01 : f32
        %mul3A_388 = arith.mulf %mul3A_387, %add3A_380 : f32
        %mul3A_389 = arith.mulf %mul3A_388, %bitcast_convert_type3A_386 : f32
        %mul3A_390 = arith.mulf %mul3A_389, %bitcast_convert_type3A_386 : f32
        %sub3A_391 = arith.constant 1.500000e+00 : f32
        %sub3A_392 = arith.subf %sub3A_391, %mul3A_390 : f32
        %mul3A_393 = arith.mulf %bitcast_convert_type3A_386, %sub3A_392 : f32
        %mul3A_394 = arith.constant 5.000000e-01 : f32
        %mul3A_395 = arith.mulf %mul3A_394, %add3A_380 : f32
        %mul3A_396 = arith.mulf %mul3A_395, %mul3A_393 : f32
        %mul3A_397 = arith.mulf %mul3A_396, %mul3A_393 : f32
        %sub3A_398 = arith.constant 1.500000e+00 : f32
        %sub3A_399 = arith.subf %sub3A_398, %mul3A_397 : f32
        %mul3A_400 = arith.mulf %mul3A_393, %sub3A_399 : f32
        %mul3A_401 = arith.constant 5.000000e-01 : f32
        %mul3A_402 = arith.mulf %mul3A_401, %add3A_380 : f32
        %mul3A_403 = arith.mulf %mul3A_402, %mul3A_400 : f32
        %mul3A_404 = arith.mulf %mul3A_403, %mul3A_400 : f32
        %sub3A_405 = arith.constant 1.500000e+00 : f32
        %sub3A_406 = arith.subf %sub3A_405, %mul3A_404 : f32
        %mul3A_407 = arith.mulf %mul3A_400, %sub3A_406 : f32
        %mul3A_408 = vector.broadcast %mul3A_407 : f32 to vector<16xf32>
        %mul3A_409 = arith.mulf %sub3A_367, %mul3A_408 : vector<16xf32>
        %mul3A_410 = arith.mulf %mul3A_409, %get3A_3 : vector<16xf32>
        %add3A_411 = arith.addf %mul3A_410, %get3A_7 : vector<16xf32>
        %swap3A_412 = arith.index_cast %scan3A_344 : i32 to index
        %swap3A_413 = arith.constant 0 : index
        %swap3A_414 = tpu.vector_load %arg11[%swap3A_412, %swap3A_413] {strides = array<i32>} : memref<200x32xf32, #tpu.memory_space<vmem>>, vector<16xf32>,
        tpu.vector_store %arg11[%swap3A_412, %swap3A_413], %add3A_411 {strides = array<i32>} : memref<200x32xf32, #tpu.memory_space<vmem>>, vector<16xf32>,
        %mul3A_415 = vector.broadcast %mul3A_407 : f32 to vector<16xf32>
        %mul3A_416 = arith.mulf %sub3A_369, %mul3A_415 : vector<16xf32>
        %mul3A_417 = arith.mulf %mul3A_416, %get3A_5 : vector<16xf32>
        %add3A_418 = arith.addf %mul3A_417, %get3A_9 : vector<16xf32>
        %swap3A_419 = arith.index_cast %scan3A_344 : i32 to index
        %swap3A_420 = arith.constant 16 : index
        %swap3A_421 = tpu.vector_load %arg11[%swap3A_419, %swap3A_420] {strides = array<i32>} : memref<200x32xf32, #tpu.memory_space<vmem>>, vector<16xf32>,
        tpu.vector_store %arg11[%swap3A_419, %swap3A_420], %add3A_418 {strides = array<i32>} : memref<200x32xf32, #tpu.memory_space<vmem>>, vector<16xf32>,
        %scan3A_422 = arith.constant 5 : i32
        %scan3A_423 = arith.addi %scan3A_33, %scan3A_422 : i32
        %get3A_424 = arith.index_cast %scan3A_423 : i32 to index
        %get3A_425 = arith.constant 0 : index
        %get3A_426 = tpu.vector_load %arg9[%get3A_424, %get3A_425] {strides = array<i32>} : memref<200x32xf32, #tpu.memory_space<vmem>>, vector<16xf32>,
        %get3A_427 = arith.index_cast %scan3A_423 : i32 to index
        %get3A_428 = arith.constant 0 : index
        %get3A_429 = tpu.vector_load %arg10[%get3A_427, %get3A_428] {strides = array<i32>} : memref<200x32xf32, #tpu.memory_space<vmem>>, vector<16xf32>,
        %add3A_430 = arith.addf %get3A_426, %get3A_429 : vector<16xf32>
        %get3A_431 = arith.index_cast %scan3A_423 : i32 to index
        %get3A_432 = arith.constant 16 : index
        %get3A_433 = tpu.vector_load %arg9[%get3A_431, %get3A_432] {strides = array<i32>} : memref<200x32xf32, #tpu.memory_space<vmem>>, vector<16xf32>,
        %get3A_434 = arith.index_cast %scan3A_423 : i32 to index
        %get3A_435 = arith.constant 16 : index
        %get3A_436 = tpu.vector_load %arg10[%get3A_434, %get3A_435] {strides = array<i32>} : memref<200x32xf32, #tpu.memory_space<vmem>>, vector<16xf32>,
        %add3A_437 = arith.addf %get3A_433, %get3A_436 : vector<16xf32>
        %add3A_438 = arith.addf %add3A_430, %add3A_437 : vector<16xf32>
        %reduce_sum3A_439 = arith.constant true
        %reduce_sum3A_440 = vector.broadcast %reduce_sum3A_439 : i1 to vector<16xi1>
        %reduce_sum3A_441 = tpu.scan <sum>, %add3A_438 masked %reduce_sum3A_440 : vector<16xf32>, vector<16xi1> -> vector<16xf32>
        %reduce_sum3A_442 = vector.extract %reduce_sum3A_441[15] : f32 from vector<16xf32>
        %mul3A_443 = arith.constant 3.125000e-02 : f32
        %mul3A_444 = arith.mulf %reduce_sum3A_442, %mul3A_443 : f32
        %sub3A_445 = vector.broadcast %mul3A_444 : f32 to vector<16xf32>
        %sub3A_446 = arith.subf %add3A_430, %sub3A_445 : vector<16xf32>
        %sub3A_447 = vector.broadcast %mul3A_444 : f32 to vector<16xf32>
        %sub3A_448 = arith.subf %add3A_437, %sub3A_447 : vector<16xf32>
        %mul3A_449 = arith.mulf %sub3A_446, %sub3A_446 : vector<16xf32>
        %mul3A_450 = arith.mulf %sub3A_448, %sub3A_448 : vector<16xf32>
        %add3A_451 = arith.addf %mul3A_449, %mul3A_450 : vector<16xf32>
        %reduce_sum3A_452 = arith.constant true
        %reduce_sum3A_453 = vector.broadcast %reduce_sum3A_452 : i1 to vector<16xi1>
        %reduce_sum3A_454 = tpu.scan <sum>, %add3A_451 masked %reduce_sum3A_453 : vector<16xf32>, vector<16xi1> -> vector<16xf32>
        %reduce_sum3A_455 = vector.extract %reduce_sum3A_454[15] : f32 from vector<16xf32>
        %mul3A_456 = arith.constant 3.125000e-02 : f32
        %mul3A_457 = arith.mulf %reduce_sum3A_455, %mul3A_456 : f32
        %add3A_458 = arith.constant 9.99999974E-6 : f32
        %add3A_459 = arith.addf %mul3A_457, %add3A_458 : f32
        %bitcast_convert_type3A_460 = arith.bitcast %add3A_459 : f32 to i32
        %shift_right_logical3A_461 = arith.constant 1 : i32
        %shift_right_logical3A_462 = arith.shrui %bitcast_convert_type3A_460, %shift_right_logical3A_461 : i32
        %sub3A_463 = arith.constant 1597463007 : i32
        %sub3A_464 = arith.subi %sub3A_463, %shift_right_logical3A_462 : i32
        %bitcast_convert_type3A_465 = arith.bitcast %sub3A_464 : i32 to f32
        %mul3A_466 = arith.constant 5.000000e-01 : f32
        %mul3A_467 = arith.mulf %mul3A_466, %add3A_459 : f32
        %mul3A_468 = arith.mulf %mul3A_467, %bitcast_convert_type3A_465 : f32
        %mul3A_469 = arith.mulf %mul3A_468, %bitcast_convert_type3A_465 : f32
        %sub3A_470 = arith.constant 1.500000e+00 : f32
        %sub3A_471 = arith.subf %sub3A_470, %mul3A_469 : f32
        %mul3A_472 = arith.mulf %bitcast_convert_type3A_465, %sub3A_471 : f32
        %mul3A_473 = arith.constant 5.000000e-01 : f32
        %mul3A_474 = arith.mulf %mul3A_473, %add3A_459 : f32
        %mul3A_475 = arith.mulf %mul3A_474, %mul3A_472 : f32
        %mul3A_476 = arith.mulf %mul3A_475, %mul3A_472 : f32
        %sub3A_477 = arith.constant 1.500000e+00 : f32
        %sub3A_478 = arith.subf %sub3A_477, %mul3A_476 : f32
        %mul3A_479 = arith.mulf %mul3A_472, %sub3A_478 : f32
        %mul3A_480 = arith.constant 5.000000e-01 : f32
        %mul3A_481 = arith.mulf %mul3A_480, %add3A_459 : f32
        %mul3A_482 = arith.mulf %mul3A_481, %mul3A_479 : f32
        %mul3A_483 = arith.mulf %mul3A_482, %mul3A_479 : f32
        %sub3A_484 = arith.constant 1.500000e+00 : f32
        %sub3A_485 = arith.subf %sub3A_484, %mul3A_483 : f32
        %mul3A_486 = arith.mulf %mul3A_479, %sub3A_485 : f32
        %mul3A_487 = vector.broadcast %mul3A_486 : f32 to vector<16xf32>
        %mul3A_488 = arith.mulf %sub3A_446, %mul3A_487 : vector<16xf32>
        %mul3A_489 = arith.mulf %mul3A_488, %get3A_3 : vector<16xf32>
        %add3A_490 = arith.addf %mul3A_489, %get3A_7 : vector<16xf32>
        %swap3A_491 = arith.index_cast %scan3A_423 : i32 to index
        %swap3A_492 = arith.constant 0 : index
        %swap3A_493 = tpu.vector_load %arg11[%swap3A_491, %swap3A_492] {strides = array<i32>} : memref<200x32xf32, #tpu.memory_space<vmem>>, vector<16xf32>,
        tpu.vector_store %arg11[%swap3A_491, %swap3A_492], %add3A_490 {strides = array<i32>} : memref<200x32xf32, #tpu.memory_space<vmem>>, vector<16xf32>,
        %mul3A_494 = vector.broadcast %mul3A_486 : f32 to vector<16xf32>
        %mul3A_495 = arith.mulf %sub3A_448, %mul3A_494 : vector<16xf32>
        %mul3A_496 = arith.mulf %mul3A_495, %get3A_5 : vector<16xf32>
        %add3A_497 = arith.addf %mul3A_496, %get3A_9 : vector<16xf32>
        %swap3A_498 = arith.index_cast %scan3A_423 : i32 to index
        %swap3A_499 = arith.constant 16 : index
        %swap3A_500 = tpu.vector_load %arg11[%swap3A_498, %swap3A_499] {strides = array<i32>} : memref<200x32xf32, #tpu.memory_space<vmem>>, vector<16xf32>,
        tpu.vector_store %arg11[%swap3A_498, %swap3A_499], %add3A_497 {strides = array<i32>} : memref<200x32xf32, #tpu.memory_space<vmem>>, vector<16xf32>,
        %scan3A_501 = arith.constant 6 : i32
        %scan3A_502 = arith.addi %scan3A_33, %scan3A_501 : i32
        %get3A_503 = arith.index_cast %scan3A_502 : i32 to index
        %get3A_504 = arith.constant 0 : index
        %get3A_505 = tpu.vector_load %arg9[%get3A_503, %get3A_504] {strides = array<i32>} : memref<200x32xf32, #tpu.memory_space<vmem>>, vector<16xf32>,
        %get3A_506 = arith.index_cast %scan3A_502 : i32 to index
        %get3A_507 = arith.constant 0 : index
        %get3A_508 = tpu.vector_load %arg10[%get3A_506, %get3A_507] {strides = array<i32>} : memref<200x32xf32, #tpu.memory_space<vmem>>, vector<16xf32>,
        %add3A_509 = arith.addf %get3A_505, %get3A_508 : vector<16xf32>
        %get3A_510 = arith.index_cast %scan3A_502 : i32 to index
        %get3A_511 = arith.constant 16 : index
        %get3A_512 = tpu.vector_load %arg9[%get3A_510, %get3A_511] {strides = array<i32>} : memref<200x32xf32, #tpu.memory_space<vmem>>, vector<16xf32>,
        %get3A_513 = arith.index_cast %scan3A_502 : i32 to index
        %get3A_514 = arith.constant 16 : index
        %get3A_515 = tpu.vector_load %arg10[%get3A_513, %get3A_514] {strides = array<i32>} : memref<200x32xf32, #tpu.memory_space<vmem>>, vector<16xf32>,
        %add3A_516 = arith.addf %get3A_512, %get3A_515 : vector<16xf32>
        %add3A_517 = arith.addf %add3A_509, %add3A_516 : vector<16xf32>
        %reduce_sum3A_518 = arith.constant true
        %reduce_sum3A_519 = vector.broadcast %reduce_sum3A_518 : i1 to vector<16xi1>
        %reduce_sum3A_520 = tpu.scan <sum>, %add3A_517 masked %reduce_sum3A_519 : vector<16xf32>, vector<16xi1> -> vector<16xf32>
        %reduce_sum3A_521 = vector.extract %reduce_sum3A_520[15] : f32 from vector<16xf32>
        %mul3A_522 = arith.constant 3.125000e-02 : f32
        %mul3A_523 = arith.mulf %reduce_sum3A_521, %mul3A_522 : f32
        %sub3A_524 = vector.broadcast %mul3A_523 : f32 to vector<16xf32>
        %sub3A_525 = arith.subf %add3A_509, %sub3A_524 : vector<16xf32>
        %sub3A_526 = vector.broadcast %mul3A_523 : f32 to vector<16xf32>
        %sub3A_527 = arith.subf %add3A_516, %sub3A_526 : vector<16xf32>
        %mul3A_528 = arith.mulf %sub3A_525, %sub3A_525 : vector<16xf32>
        %mul3A_529 = arith.mulf %sub3A_527, %sub3A_527 : vector<16xf32>
        %add3A_530 = arith.addf %mul3A_528, %mul3A_529 : vector<16xf32>
        %reduce_sum3A_531 = arith.constant true
        %reduce_sum3A_532 = vector.broadcast %reduce_sum3A_531 : i1 to vector<16xi1>
        %reduce_sum3A_533 = tpu.scan <sum>, %add3A_530 masked %reduce_sum3A_532 : vector<16xf32>, vector<16xi1> -> vector<16xf32>
        %reduce_sum3A_534 = vector.extract %reduce_sum3A_533[15] : f32 from vector<16xf32>
        %mul3A_535 = arith.constant 3.125000e-02 : f32
        %mul3A_536 = arith.mulf %reduce_sum3A_534, %mul3A_535 : f32
        %add3A_537 = arith.constant 9.99999974E-6 : f32
        %add3A_538 = arith.addf %mul3A_536, %add3A_537 : f32
        %bitcast_convert_type3A_539 = arith.bitcast %add3A_538 : f32 to i32
        %shift_right_logical3A_540 = arith.constant 1 : i32
        %shift_right_logical3A_541 = arith.shrui %bitcast_convert_type3A_539, %shift_right_logical3A_540 : i32
        %sub3A_542 = arith.constant 1597463007 : i32
        %sub3A_543 = arith.subi %sub3A_542, %shift_right_logical3A_541 : i32
        %bitcast_convert_type3A_544 = arith.bitcast %sub3A_543 : i32 to f32
        %mul3A_545 = arith.constant 5.000000e-01 : f32
        %mul3A_546 = arith.mulf %mul3A_545, %add3A_538 : f32
        %mul3A_547 = arith.mulf %mul3A_546, %bitcast_convert_type3A_544 : f32
        %mul3A_548 = arith.mulf %mul3A_547, %bitcast_convert_type3A_544 : f32
        %sub3A_549 = arith.constant 1.500000e+00 : f32
        %sub3A_550 = arith.subf %sub3A_549, %mul3A_548 : f32
        %mul3A_551 = arith.mulf %bitcast_convert_type3A_544, %sub3A_550 : f32
        %mul3A_552 = arith.constant 5.000000e-01 : f32
        %mul3A_553 = arith.mulf %mul3A_552, %add3A_538 : f32
        %mul3A_554 = arith.mulf %mul3A_553, %mul3A_551 : f32
        %mul3A_555 = arith.mulf %mul3A_554, %mul3A_551 : f32
        %sub3A_556 = arith.constant 1.500000e+00 : f32
        %sub3A_557 = arith.subf %sub3A_556, %mul3A_555 : f32
        %mul3A_558 = arith.mulf %mul3A_551, %sub3A_557 : f32
        %mul3A_559 = arith.constant 5.000000e-01 : f32
        %mul3A_560 = arith.mulf %mul3A_559, %add3A_538 : f32
        %mul3A_561 = arith.mulf %mul3A_560, %mul3A_558 : f32
        %mul3A_562 = arith.mulf %mul3A_561, %mul3A_558 : f32
        %sub3A_563 = arith.constant 1.500000e+00 : f32
        %sub3A_564 = arith.subf %sub3A_563, %mul3A_562 : f32
        %mul3A_565 = arith.mulf %mul3A_558, %sub3A_564 : f32
        %mul3A_566 = vector.broadcast %mul3A_565 : f32 to vector<16xf32>
        %mul3A_567 = arith.mulf %sub3A_525, %mul3A_566 : vector<16xf32>
        %mul3A_568 = arith.mulf %mul3A_567, %get3A_3 : vector<16xf32>
        %add3A_569 = arith.addf %mul3A_568, %get3A_7 : vector<16xf32>
        %swap3A_570 = arith.index_cast %scan3A_502 : i32 to index
        %swap3A_571 = arith.constant 0 : index
        %swap3A_572 = tpu.vector_load %arg11[%swap3A_570, %swap3A_571] {strides = array<i32>} : memref<200x32xf32, #tpu.memory_space<vmem>>, vector<16xf32>,
        tpu.vector_store %arg11[%swap3A_570, %swap3A_571], %add3A_569 {strides = array<i32>} : memref<200x32xf32, #tpu.memory_space<vmem>>, vector<16xf32>,
        %mul3A_573 = vector.broadcast %mul3A_565 : f32 to vector<16xf32>
        %mul3A_574 = arith.mulf %sub3A_527, %mul3A_573 : vector<16xf32>
        %mul3A_575 = arith.mulf %mul3A_574, %get3A_5 : vector<16xf32>
        %add3A_576 = arith.addf %mul3A_575, %get3A_9 : vector<16xf32>
        %swap3A_577 = arith.index_cast %scan3A_502 : i32 to index
        %swap3A_578 = arith.constant 16 : index
        %swap3A_579 = tpu.vector_load %arg11[%swap3A_577, %swap3A_578] {strides = array<i32>} : memref<200x32xf32, #tpu.memory_space<vmem>>, vector<16xf32>,
        tpu.vector_store %arg11[%swap3A_577, %swap3A_578], %add3A_576 {strides = array<i32>} : memref<200x32xf32, #tpu.memory_space<vmem>>, vector<16xf32>,
        %scan3A_580 = arith.constant 7 : i32
        %scan3A_581 = arith.addi %scan3A_33, %scan3A_580 : i32
        %get3A_582 = arith.index_cast %scan3A_581 : i32 to index
        %get3A_583 = arith.constant 0 : index
        %get3A_584 = tpu.vector_load %arg9[%get3A_582, %get3A_583] {strides = array<i32>} : memref<200x32xf32, #tpu.memory_space<vmem>>, vector<16xf32>,
        %get3A_585 = arith.index_cast %scan3A_581 : i32 to index
        %get3A_586 = arith.constant 0 : index
        %get3A_587 = tpu.vector_load %arg10[%get3A_585, %get3A_586] {strides = array<i32>} : memref<200x32xf32, #tpu.memory_space<vmem>>, vector<16xf32>,
        %add3A_588 = arith.addf %get3A_584, %get3A_587 : vector<16xf32>
        %get3A_589 = arith.index_cast %scan3A_581 : i32 to index
        %get3A_590 = arith.constant 16 : index
        %get3A_591 = tpu.vector_load %arg9[%get3A_589, %get3A_590] {strides = array<i32>} : memref<200x32xf32, #tpu.memory_space<vmem>>, vector<16xf32>,
        %get3A_592 = arith.index_cast %scan3A_581 : i32 to index
        %get3A_593 = arith.constant 16 : index
        %get3A_594 = tpu.vector_load %arg10[%get3A_592, %get3A_593] {strides = array<i32>} : memref<200x32xf32, #tpu.memory_space<vmem>>, vector<16xf32>,
        %add3A_595 = arith.addf %get3A_591, %get3A_594 : vector<16xf32>
        %add3A_596 = arith.addf %add3A_588, %add3A_595 : vector<16xf32>
        %reduce_sum3A_597 = arith.constant true
        %reduce_sum3A_598 = vector.broadcast %reduce_sum3A_597 : i1 to vector<16xi1>
        %reduce_sum3A_599 = tpu.scan <sum>, %add3A_596 masked %reduce_sum3A_598 : vector<16xf32>, vector<16xi1> -> vector<16xf32>
        %reduce_sum3A_600 = vector.extract %reduce_sum3A_599[15] : f32 from vector<16xf32>
        %mul3A_601 = arith.constant 3.125000e-02 : f32
        %mul3A_602 = arith.mulf %reduce_sum3A_600, %mul3A_601 : f32
        %sub3A_603 = vector.broadcast %mul3A_602 : f32 to vector<16xf32>
        %sub3A_604 = arith.subf %add3A_588, %sub3A_603 : vector<16xf32>
        %sub3A_605 = vector.broadcast %mul3A_602 : f32 to vector<16xf32>
        %sub3A_606 = arith.subf %add3A_595, %sub3A_605 : vector<16xf32>
        %mul3A_607 = arith.mulf %sub3A_604, %sub3A_604 : vector<16xf32>
        %mul3A_608 = arith.mulf %sub3A_606, %sub3A_606 : vector<16xf32>
        %add3A_609 = arith.addf %mul3A_607, %mul3A_608 : vector<16xf32>
        %reduce_sum3A_610 = arith.constant true
        %reduce_sum3A_611 = vector.broadcast %reduce_sum3A_610 : i1 to vector<16xi1>
        %reduce_sum3A_612 = tpu.scan <sum>, %add3A_609 masked %reduce_sum3A_611 : vector<16xf32>, vector<16xi1> -> vector<16xf32>
        %reduce_sum3A_613 = vector.extract %reduce_sum3A_612[15] : f32 from vector<16xf32>
        %mul3A_614 = arith.constant 3.125000e-02 : f32
        %mul3A_615 = arith.mulf %reduce_sum3A_613, %mul3A_614 : f32
        %add3A_616 = arith.constant 9.99999974E-6 : f32
        %add3A_617 = arith.addf %mul3A_615, %add3A_616 : f32
        %bitcast_convert_type3A_618 = arith.bitcast %add3A_617 : f32 to i32
        %shift_right_logical3A_619 = arith.constant 1 : i32
        %shift_right_logical3A_620 = arith.shrui %bitcast_convert_type3A_618, %shift_right_logical3A_619 : i32
        %sub3A_621 = arith.constant 1597463007 : i32
        %sub3A_622 = arith.subi %sub3A_621, %shift_right_logical3A_620 : i32
        %bitcast_convert_type3A_623 = arith.bitcast %sub3A_622 : i32 to f32
        %mul3A_624 = arith.constant 5.000000e-01 : f32
        %mul3A_625 = arith.mulf %mul3A_624, %add3A_617 : f32
        %mul3A_626 = arith.mulf %mul3A_625, %bitcast_convert_type3A_623 : f32
        %mul3A_627 = arith.mulf %mul3A_626, %bitcast_convert_type3A_623 : f32
        %sub3A_628 = arith.constant 1.500000e+00 : f32
        %sub3A_629 = arith.subf %sub3A_628, %mul3A_627 : f32
        %mul3A_630 = arith.mulf %bitcast_convert_type3A_623, %sub3A_629 : f32
        %mul3A_631 = arith.constant 5.000000e-01 : f32
        %mul3A_632 = arith.mulf %mul3A_631, %add3A_617 : f32
        %mul3A_633 = arith.mulf %mul3A_632, %mul3A_630 : f32
        %mul3A_634 = arith.mulf %mul3A_633, %mul3A_630 : f32
        %sub3A_635 = arith.constant 1.500000e+00 : f32
        %sub3A_636 = arith.subf %sub3A_635, %mul3A_634 : f32
        %mul3A_637 = arith.mulf %mul3A_630, %sub3A_636 : f32
        %mul3A_638 = arith.constant 5.000000e-01 : f32
        %mul3A_639 = arith.mulf %mul3A_638, %add3A_617 : f32
        %mul3A_640 = arith.mulf %mul3A_639, %mul3A_637 : f32
        %mul3A_641 = arith.mulf %mul3A_640, %mul3A_637 : f32
        %sub3A_642 = arith.constant 1.500000e+00 : f32
        %sub3A_643 = arith.subf %sub3A_642, %mul3A_641 : f32
        %mul3A_644 = arith.mulf %mul3A_637, %sub3A_643 : f32
        %mul3A_645 = vector.broadcast %mul3A_644 : f32 to vector<16xf32>
        %mul3A_646 = arith.mulf %sub3A_604, %mul3A_645 : vector<16xf32>
        %mul3A_647 = arith.mulf %mul3A_646, %get3A_3 : vector<16xf32>
        %add3A_648 = arith.addf %mul3A_647, %get3A_7 : vector<16xf32>
        %swap3A_649 = arith.index_cast %scan3A_581 : i32 to index
        %swap3A_650 = arith.constant 0 : index
        %swap3A_651 = tpu.vector_load %arg11[%swap3A_649, %swap3A_650] {strides = array<i32>} : memref<200x32xf32, #tpu.memory_space<vmem>>, vector<16xf32>,
        tpu.vector_store %arg11[%swap3A_649, %swap3A_650], %add3A_648 {strides = array<i32>} : memref<200x32xf32, #tpu.memory_space<vmem>>, vector<16xf32>,
        %mul3A_652 = vector.broadcast %mul3A_644 : f32 to vector<16xf32>
        %mul3A_653 = arith.mulf %sub3A_606, %mul3A_652 : vector<16xf32>
        %mul3A_654 = arith.mulf %mul3A_653, %get3A_5 : vector<16xf32>
        %add3A_655 = arith.addf %mul3A_654, %get3A_9 : vector<16xf32>
        %swap3A_656 = arith.index_cast %scan3A_581 : i32 to index
        %swap3A_657 = arith.constant 16 : index
        %swap3A_658 = tpu.vector_load %arg11[%swap3A_656, %swap3A_657] {strides = array<i32>} : memref<200x32xf32, #tpu.memory_space<vmem>>, vector<16xf32>,
        tpu.vector_store %arg11[%swap3A_656, %swap3A_657], %add3A_655 {strides = array<i32>} : memref<200x32xf32, #tpu.memory_space<vmem>>, vector<16xf32>,
      }
      %scan3A_31 = arith.constant 200 : i32
      %add3A_32 = arith.addi %mul3A_2, %scan3A_15 : i32
      "tpu.region"() ({
        %run_scoped3A = tpu.sem_alloc : memref<!tpu.dma_semaphore, #tpu.memory_space<semaphore_mem>>
        %dma_start3A_33 = arith.constant 0 : i32
        %dma_start3A_34 = arith.constant 0 : i32
        %dma_start3A_35 = tpu.memref_slice %arg7[%add3A_32, %dma_start3A_33, %dma_start3A_34] : memref<4096x200x32xf32, #tpu.memory_space<hbm>> -> memref<1x200x32xf32, #tpu.memory_space<hbm>>
        %dma_start3A_36 = tpu.memref_squeeze %dma_start3A_35 : memref<1x200x32xf32, #tpu.memory_space<hbm>> -> memref<200x32xf32, #tpu.memory_space<hbm>>
        %dma_start3A_37 = arith.constant 0 : i32
        %dma_start3A_38 = arith.constant 0 : i32
        %dma_start3A_39 = tpu.memref_slice %arg7[%add3A_32, %dma_start3A_37, %dma_start3A_38] : memref<4096x200x32xf32, #tpu.memory_space<hbm>> -> memref<1x200x32xf32, #tpu.memory_space<hbm>>
        %dma_start3A_40 = tpu.memref_squeeze %dma_start3A_39 : memref<1x200x32xf32, #tpu.memory_space<hbm>> -> memref<200x32xf32, #tpu.memory_space<hbm>>
        tpu.enqueue_dma source(%arg11 : memref<200x32xf32, #tpu.memory_space<vmem>>) target(%dma_start3A_40 : memref<200x32xf32, #tpu.memory_space<hbm>>) target_semaphore(%run_scoped3A : memref<!tpu.dma_semaphore, #tpu.memory_space<semaphore_mem>>)
        %dma_wait3A_41 = arith.constant 0 : i32
        %dma_wait3A_42 = arith.constant 0 : i32
        %dma_wait3A_43 = tpu.memref_slice %arg7[%add3A_32, %dma_wait3A_41, %dma_wait3A_42] : memref<4096x200x32xf32, #tpu.memory_space<hbm>> -> memref<1x200x32xf32, #tpu.memory_space<hbm>>
        %dma_wait3A_44 = tpu.memref_squeeze %dma_wait3A_43 : memref<1x200x32xf32, #tpu.memory_space<hbm>> -> memref<200x32xf32, #tpu.memory_space<hbm>>
        %dma_wait3A_45 = arith.constant 0 : i32
        %dma_wait3A_46 = arith.constant 0 : i32
        %dma_wait3A_47 = tpu.memref_slice %arg7[%add3A_32, %dma_wait3A_45, %dma_wait3A_46] : memref<4096x200x32xf32, #tpu.memory_space<hbm>> -> memref<1x200x32xf32, #tpu.memory_space<hbm>>
        %dma_wait3A_48 = tpu.memref_squeeze %dma_wait3A_47 : memref<1x200x32xf32, #tpu.memory_space<hbm>> -> memref<200x32xf32, #tpu.memory_space<hbm>>
        tpu.wait_dma2 semaphore(%run_scoped3A : memref<!tpu.dma_semaphore, #tpu.memory_space<semaphore_mem>>) src(%arg11 : memref<200x32xf32, #tpu.memory_space<vmem>>) dst(%dma_wait3A_48 : memref<200x32xf32, #tpu.memory_space<hbm>>)
        tpu.yield
      }) : () -> ()
    }
    %scan3A_14 = arith.constant 128 : i32
    return
  }
}

</mosaic_0001>

<sc_bundles>
// kernel: kernel.3.cloned.1.call-start
scs
__scs_entry_jumppad:
0x0: {  	(pc) =	sbr.rel $0x88, $3  }
0x1: {  	(tag) =	ssettag $0x0;
	lr =	simm.s32 $0x1  }
0x2: {  	[smem:$0x3F9C] =	sst lr;
	_ =	strace $0xD0000000  }
0x3: {  	_ = 	snop  }
0x4: {  	_ = 	snop  }
0x5: {  	_ = 	snop  }
0x6: {  	_ = 	snop  }
0x7: {  	_ = 	snop  }
__scs_overlays_trampoline_lowered:
0x8: {  	[smem:$0x3FAB] =	sst s0  }
0x9: {  	[smem:$0x3FAC] =	sst s1  }
0xa: {  	[smem:$0x3FAD] =	sst s2  }
0xb: {  	[smem:$0x3FAE] =	sst s3  }
0xc: {  	[smem:$0x3FAF] =	sst s4  }
0xd: {  	[smem:$0x3FB0] =	sst s5  }
0xe: {  	[smem:$0x3FB1] =	sst s6  }
0xf: {  	[smem:$0x3FB2] =	sst s7  }
0x10: {  	[smem:$0x3FB3] =	sst s8  }
0x11: {  	[smem:$0x3FB4] =	sst s9;
	s0 =	simm.s32 @!p0 $0x0  }
0x12: {  	s1 =	sld [smem:$0x3F9A];
	s0 =	simm.s32 @p0 $0x1  }
0x13: {  	[smem:$0x3FB5] =	sst s0;
	s0 =	simm.s32 @!p1 $0x0  }
0x14: {  	s2 =	sld [smem:$0x3F99];
	s0 =	simm.s32 @p1 $0x1  }
0x15: {  	[smem:$0x3FB6] =	sst s0;
	s0 =	simm.s32 @!p2 $0x0  }
0x16: {  	s3 =	sld [smem:$0x3FDB];
	s0 =	simm.s32 @p2 $0x1  }
0x17: {  	s4 =	simm.s32 $0x1BF5;
	[smem:$0x3FB8] =	sst s0  }
0x18: {  	s0 =	sld [smem:$0x3F9B];
	_ =	swait.ge [sflag:s4], $0x0  }
0x19: {  	s7 =	sld [smem:$0x3F9C]  }
0x1a: {  	s8 =	sadd.s32 $0xFFFFE003, lr  }
0x1b: {  	s9 =	sadd.s32 $0xFFFFFEF7, lr;
	s5 =	simm.s32 $0xFFFFFFFF;
	p2 =	slt.u32 s8, $0xFFFFF086  }
0x1c: {  	p1 =	slt.u32 s9, $0xF7A;
	s5 =	simm.s32 @!p2 $0x0  }
0x1d: {  	s5 =	simm.s32 @p1 $0x1;
	p0 =	seq.s32 s7, s2  }
0x1e: {  	s7 =	smul.u32 @!p0 $0xF7A, s2;
	p2 =	seq.s32 @!p0 s5, $0x0  }
0x1f: {  	s9 =	smul.u32 $0xF7A, s1;
	s8 =	simm.s32 @!p0 $0x1BF5;
	p2 =	por !p2, p0  }
0x20: {  	[sflag:s8] =	ssyncset.s32 @!p0 $0xFFFFF086;
	s6 =	sadd.s32 @!p0 s3, s7;
	s7 =	simm.s32 @!p0 $0x108  }
0x21: {  	s3 =	sadd.s32 s3, s9;
	s6 =	sadd.s32 @!p0 $0x88, s6;
	s7 =	simm.s32 @p2 $0x1082  }
0x22: {  	[simem:s7], [sflag:s8] =	dma.local @!p0 [hbm:s6], $0xF7A  }
0x23: {  	s9 =	sor.u32 $0xD0000000, s2;
	s6 =	simm.s32 $0x108;
	_ =	swait.ge @!p0 [sflag:s8], $0x0  }
0x24: {  	s3 =	sadd.s32 $0x88, s3;
	s6 =	simm.s32 @!p1 $0x1082;
	[sflag:s4] =	ssyncset.s32 $0xFFFFF086  }
0x25: {  	[simem:s6], [sflag:s4] =	dma.local [hbm:s3], $0xF7A  }
0x26: {  	[smem:$0x3F9C] =	sst s1;
	(tag) =	ssettag s2;
	_ =	strace s9  }
0x27: {  	s1 =	sld [smem:$0x3FAC]  }
0x28: {  	s2 =	sld [smem:$0x3FAD]  }
0x29: {  	s4 =	sld [smem:$0x3FAF]  }
0x2a: {  	p0 =	seq.s32 s5, $0x0;
	s5 =	sld [smem:$0x3FB0]  }
0x2b: {  	s6 =	sld [smem:$0x3FB1]  }
0x2c: {  	s7 =	sld [smem:$0x3FB2]  }
0x2d: {  	s3 =	simm.s32 $0x108;
	s8 =	sld [smem:$0x3FB3]  }
0x2e: {  	s3 =	simm.s32 @!p0 $0x1082;
	s9 =	sld [smem:$0x3FB4]  }
0x2f: {  	lr =	sadd.s32 s0, s3;
	s0 =	sld [smem:$0x3FAB]  }
0x30: {  	s3 =	sld [smem:$0x3FAE]  }
0x31: {  	[smem:$0x3FB7] =	sst s10  }
0x32: {  	s10 =	sld [smem:$0x3FB5];
	_ =	sdelay $0x3  }
0x33: {  	p0 =	seq.s32 s10, $0x1;
	s10 =	sld [smem:$0x3FB7];
	_ =	sdelay $0x3  }
0x34: {  	[smem:$0x3FB7] =	sst s10  }
0x35: {  	s10 =	sld [smem:$0x3FB6];
	_ =	sdelay $0x3  }
0x36: {  	p1 =	seq.s32 s10, $0x1;
	s10 =	sld [smem:$0x3FB7];
	_ =	sdelay $0x3  }
0x37: {  	[smem:$0x3FB7] =	sst s10  }
0x38: {  	s10 =	sld [smem:$0x3FB8]  }
0x39: {  	_ = 	snop;
	(pc) =	sbr.ind lr, $3  }
0x3a: {  	_ = 	snop  }
0x3b: {  	_ = 	snop  }
0x3c: {  	p2 =	seq.s32 s10, $0x1;
	s10 =	sld [smem:$0x3FB7]  }
0x3d: {  	_ =	shalt  }
0x3e: {  	_ =	shalt  }
0x3f: {  	_ =	shalt  }
0x40: {  	_ =	shalt  }
0x41: {  	_ =	shalt  }
0x42: {  	_ =	shalt  }
0x43: {  	_ =	shalt  }
0x44: {  	_ =	shalt  }
0x45: {  	_ =	shalt  }
0x46: {  	_ =	shalt  }
0x47: {  	_ =	shalt  }
0x48: {  	_ =	shalt  }
0x49: {  	_ =	shalt  }
0x4a: {  	_ =	shalt  }
0x4b: {  	_ =	shalt  }
0x4c: {  	_ =	shalt  }
0x4d: {  	_ =	shalt  }
0x4e: {  	_ =	shalt  }
0x4f: {  	_ =	shalt  }
0x50: {  	_ =	shalt  }
0x51: {  	_ =	shalt  }
0x52: {  	_ =	shalt  }
0x53: {  	_ =	shalt  }
0x54: {  	_ =	shalt  }
0x55: {  	_ =	shalt  }
0x56: {  	_ =	shalt  }
0x57: {  	_ =	shalt  }
0x58: {  	_ =	shalt  }
0x59: {  	_ =	shalt  }
0x5a: {  	_ =	shalt  }
0x5b: {  	_ =	shalt  }
0x5c: {  	_ =	shalt  }
0x5d: {  	_ =	shalt  }
0x5e: {  	_ =	shalt  }
0x5f: {  	_ =	shalt  }
0x60: {  	_ =	shalt  }
0x61: {  	_ =	shalt  }
0x62: {  	_ =	shalt  }
0x63: {  	_ =	shalt  }
0x64: {  	_ =	shalt  }
0x65: {  	_ =	shalt  }
0x66: {  	_ =	shalt  }
0x67: {  	_ =	shalt  }
0x68: {  	_ =	shalt  }
0x69: {  	_ =	shalt  }
0x6a: {  	_ =	shalt  }
0x6b: {  	_ =	shalt  }
0x6c: {  	_ =	shalt  }
0x6d: {  	_ =	shalt  }
0x6e: {  	_ =	shalt  }
0x6f: {  	_ =	shalt  }
0x70: {  	_ =	shalt  }
0x71: {  	_ =	shalt  }
0x72: {  	_ =	shalt  }
0x73: {  	_ =	shalt  }
0x74: {  	_ =	shalt  }
0x75: {  	_ =	shalt  }
0x76: {  	_ =	shalt  }
0x77: {  	_ =	shalt  }
0x78: {  	_ =	shalt  }
0x79: {  	_ =	shalt  }
0x7a: {  	_ =	shalt  }
0x7b: {  	_ =	shalt  }
0x7c: {  	_ =	shalt  }
0x7d: {  	_ =	shalt  }
0x7e: {  	_ =	shalt  }
0x7f: {  	_ =	shalt  }
0x80: {  	_ =	shalt  }
0x81: {  	_ =	shalt  }
0x82: {  	_ =	shalt  }
0x83: {  	_ =	shalt  }
0x84: {  	_ =	shalt  }
0x85: {  	_ =	shalt  }
0x86: {  	_ =	shalt  }
0x87: {  	_ =	shalt  }
.Lfunc_end0:
.L_simem_size_0:
called_computation.1_lowered:
.L_overlay_start_0:
0x88: {  	s2 =	sld [smem:$0x3FD9]  }
0x89: {  	s3 =	sld [smem:$0x3FFE];
	_ =	sdelay $0x1  }
0x8a: {  	s1 =	srdreg.scid  }
0x8b: {  	s0 =	sand.u32 $0x1, s1  }
0x8c: {  	s17 =	sshll.u32 s0, $0xA;
	s2 =	sadd.s32 s3, s2  }
0x8d: {  	s2 =	sadd.s32 s2, s17  }
0x8e: {  	[smem:$0x3FC3] =	sst s2  }
0x8f: {  	_ = 	snop  }
0x90: {  	s2 =	sld [smem:$0x3FC6]  }
0x91: {  	s18 =	sld [smem:$0x3FC5]  }
0x92: {  	s4 =	sld [smem:$0x3FD0];
	(tm) =	ssettm $0x1  }
0x93: {  	s5 =	sld [smem:$0x3FFB];
	_ =	sdelay $0x3  }
0x94: {  	_ =	strace s5  }
0x95: {  	s5 =	sld [smem:$0x3FFC];
	_ =	sdelay $0x3  }
0x96: {  	_ =	strace s5  }
0x97: {  	s5 =	sld [smem:$0x3FFD];
	_ =	sdelay $0x3  }
0x98: {  	_ =	strace s5  }
0x99: {  	_ =	strace $0x8FFFFFFF  }
0x9a: {  	s19 =	sld [smem:$0x3FDB];
	_ =	sdelay $0x1  }
0x9b: {  	s6 =	simm.s32 $_scs_section_size  }
0x9c: {  	s7 =	simm.s32 $_size__tile_overlayer_lowered;
	s8 =	simm.s32 $_tile_overlayer_lowered  }
0x9d: {  	s22 =	simm.s32 $0x1BFF;
	s21 =	sshll.u32 s8, $0x1;
	s5 =	sadd.s32 s6, s19  }
0x9e: {  	s9 =	simm.s32 $0x0;
	s20 =	sshll.u32 s7, $0x1;
	s7 =	sadd.s32 s21, s5  }
0x9f: {  	[timem:s9], [sflag:s22] =	dma.local [hbm:s7], s20  }
0xa0: {  	_ =	swait.ge [sflag:s22], s20  }
0xa1: {  	s6 =	ssub.s32 $0x0, s20;
	[sflag:s22] =	ssyncset.done $0x0  }
0xa2: {  	[sflag:s22] =	ssyncadd.s32 s6;
	_ =	sdelay $0x1  }
0xa3: {  	s23 =	simm.s32 $0x1B8B  }
0xa4: {  	_ =	swait.ge [sflag:s23], $0x1  }
0xa5: {  	[sflag:s23] =	ssyncset.done $0x0  }
0xa6: {  	s25 =	simm.s32 $0x1B8E;
	s24 =	sld [smem:$0x3FFE];
	[sflag:s23] =	ssyncadd.s32 $0xFFFFFFFF  }
0xa7: {  	s26 =	simm.s32 $execute0_lowered;
	[smem:$0x3FD2] =	sst s25  }
0xa8: {  	s7 =	sshll.u32 s26, $0x1;
	_ =	strace $0x80000046;
	[dreg:$0x1] =	wrdreg $0xFFFFFFFF  }
0xa9: {  	s28 =	simm.s32 $_size_execute0_lowered;
	s5 =	sadd.s32 s5, s7;
	[dreg:$0x0] =	wrdreg $0x0  }
0xaa: {  	s7 =	sshll.u32 s28, $0x1;
	[dreg:$0x2] =	wrdreg s5  }
0xab: {  	[dreg:$0x3] =	wrdreg s7  }
0xac: {  	[dreg:$0x4] =	wrdreg $0xC0  }
0xad: {  	_ =	task [dreg:s9], $0x5FFFF  }
0xae: {  	[dreg:$0x1] =	wrdreg $0xFFFFFFFF  }
0xaf: {  	[dreg:$0x0] =	wrdreg $0x60  }
0xb0: {  	[dreg:$0x2] =	wrdreg s24  }
0xb1: {  	[dreg:$0x3] =	wrdreg s2  }
0xb2: {  	[dreg:$0x4] =	wrdreg s18  }
0xb3: {  	[dreg:$0x5] =	wrdreg s4  }
0xb4: {  	[dreg:$0x6] =	wrdreg $0x9  }
0xb5: {  	_ =	task.clear_ibuf [dreg:s9], $0x7FFFF;
	_ =	strace $0x90000046  }
0xb6: {  	s29 =	simm.s32 $0x9;
	_ =	strace $0x80000048  }
0xb7: {  	_ =	swait.ge [sflag:s29], $0x1  }
0xb8: {  	[sflag:s29] =	ssyncadd.s32 $0xFFFFFFFF  }
0xb9: {  	_ =	strace $0x90000048  }
0xba: {  	_ =	sfence  }
0xbb: {  	s30 =	sld [smem:$0x0];
	_ =	sdelay $0x2  }
0xbc: {  	s31 =	sshll.u32 s1, $0xD;
	s1 =	sshrl.u32 s1, $0x2  }
0xbd: {  	s3 =	sand.u32 $0x4000, s31;
	s1 =	sadd.s32 s1, s30  }
0xbe: {  	s0 =	sor.u32 s3, s0;
	s1 =	sshll.u32 s1, $0x11  }
0xbf: {  	s0 =	sor.u32 s1, s0  }
0xc0: {  	s0 =	sadd.s32 $0x8F2B, s0  }
0xc1: {  	[sflag:s0] =	ssyncadd.remote.s32 $0x1  }
0xc2: {  	_ =	sfence.sel $0xFFFF  }
0xc3: {  	[dreg:$0x0] =	wrdreg $0xFFFFFFFF;
	(pc) =	sbr.abs _section_cstart, $3  }
0xc4: {  	[dreg:$0x1] =	wrdreg $0xFFFFFFFF  }
0xc5: {  	_ =	task.clear_ibuf [dreg:s9], $0x2FFFF;
	_ =	strace $0x9FFFFFFF  }
0xc6: {  	(tm) =	ssettm $0x7FFFFFFF  }
0xc7: {  	_ =	shalt  }
tec
execute0_lowered:
.L_overlay_start_1:
0x0: {  	(tag) =	ssettag $0x1  }
0x1: {  	s8 =	rddreg [dreg:$0x0]  }
0x2: {  	s1 =	rddreg [dreg:$0x1];
	s2 =	srdreg.scid  }
0x3: {  	s3 =	rddreg [dreg:$0x2];
	s0 =	stileid.u32  }
0x4: {  	s4 =	rddreg [dreg:$0x3];
	s5 =	simm.s32 $0x0;
	s12 =	simm.s32 $0x7D00  }
0x5: {  	s13 =	simm.s32 $0xAF00;
	s14 =	simm.s32 $0xAF20;
	s15 =	simm.s32 $0xC8  }
0x6: {  	s16 =	simm.s32 $0x6400;
	s17 =	simm.s32 $0x1;
	s7 =	sand.u32 $0x1, s2  }
0x7: {  	s18 =	simm.s32 $0x9600;
	s6 =	sshll.u32 s0, $0x8;
	s9 =	sshll.u32 s7, $0x7  }
0x8: {  	s19 =	simm.s32 $0x0;
	s2 =	rddreg [dreg:$0x4];
	s6 =	sor.u32 s9, s6  }
0x9: {  	[smem:$0x7FF] =	sst s5;
	s10 =	ssub.s32 $0x2, s7;
	s9 =	smul.u32 $0x19, s6  }
0xa: {  	_ =	strace $0x80000047;
	s7 =	sadd.s32 $0xF43000, s8;
	s11 =	sshrl.u32 s10, $0x1  }
0xb: {  	s10 =	ssub.s32 s10, s11;
	s11 =	simm.s32 $0x2;
	s9 =	sadd.s32 s9, s8  }
0xc: {  	s10 =	smax.u32 s10, $0x1;
	s8 =	sadd.s32 $0x19C00, s8;
	s9 =	sadd.s32 $0xC00, s9  }
.LBB2_1:
0xd: {  	[tilespmem:s5], [sflag:$0x2] =	stream.linear.gather [hbm4b:s9+s5], $0x6400, $0x38;
	[tilespmem:$0xAF40] =	vst v63  }
0xe: {  	_ =	swait.ge [sflag:s11], $0x6400  }
0xf: {  	[sflag:s11] =	ssyncset.done $0x0  }
0x10: {  	[sflag:s11] =	ssyncadd.s32 $0xFFFF9C00  }
0x11: {  	[tilespmem:s12], [sflag:$0x2] =	stream.linear.gather [hbm4b:s8+s5], $0x1900, $0x38;
	[tilespmem:$0xAF40] =	vst v63  }
0x12: {  	_ =	swait.ge [sflag:s11], $0x1900  }
0x13: {  	[sflag:s11] =	ssyncset.done $0x0  }
0x14: {  	[sflag:s11] =	ssyncadd.s32 $0xFFFFE700  }
0x15: {  	[tilespmem:s13], [sflag:$0x2] =	stream.linear.gather [hbm4b:s1+s5], $0x20, $0x38;
	[tilespmem:$0xAF40] =	vst v63  }
0x16: {  	_ =	swait.ge [sflag:s11], $0x20  }
0x17: {  	[sflag:s11] =	ssyncset.done $0x0  }
0x18: {  	[sflag:s11] =	ssyncadd.s32 $0xFFFFFFE0  }
0x19: {  	[tilespmem:s14], [sflag:$0x2] =	stream.linear.gather [hbm4b:s3+s5], $0x20, $0x38;
	[tilespmem:$0xAF40] =	vst v63  }
0x1a: {  	_ =	swait.ge [sflag:s11], $0x20  }
0x1b: {  	[sflag:s11] =	ssyncset.done $0x0  }
0x1c: {  	[sflag:s11] =	ssyncadd.s32 $0xFFFFFFE0  }
0x1d: {  	v0 =	vld [tilespmem:$0xAF00]  }
0x1e: {  	v1 =	vld [tilespmem:$0xAF10]  }
0x1f: {  	v2 =	vld [tilespmem:$0xAF20]  }
0x20: {  	s20 =	simm.s32 $0x0;
	v3 =	vld [tilespmem:$0xAF30]  }
.LBB2_2:
0x21: {  	s21 =	smul.u32 $0x320, s20;
	_ =	sdelay $0x1  }
0x22: {  	s21 =	sshra.s32 s21, $0x2  }
0x23: {  	[tilespmem:s16], [sflag:$0x1] =	stream.indirect.gather [hbm4b:s7+s15], $0x20, s21, s15, $0xb8;
	[tilespmem:$0xAF40] =	vst v63  }
0x24: {  	_ =	swait.ge [sflag:s17], $0x1900  }
0x25: {  	s22 =	simm.s32 $0x6480;
	s23 =	simm.s32 $0x7D80;
	[sflag:s17] =	ssyncset.done $0x0  }
0x26: {  	s24 =	simm.s32 $0x9680;
	s21 =	simm.s32 $0xFFFFFFF8;
	[sflag:s17] =	ssyncadd.s32 $0xFFFFE700  }
.LBB2_3:
0x27: {  	v4 =	vld [tilespmem:s22+$0xFFFFFF80]  }
0x28: {  	v5 =	vld [tilespmem:s23+$0xFFFFFF80]  }
0x29: {  	v6 =	vld [tilespmem:s22+$0xFFFFFF90]  }
0x2a: {  	v7 =	vld [tilespmem:s23+$0xFFFFFF90];
	_ =	sdelay $0x4  }
0x2b: {  	v4 =	vadd.f32 v5, v4;
	v5 =	vadd.f32 v7, v6;
	_ =	sdelay $0x1  }
0x2c: {  	v6 =	vadd.f32 v5, v4;
	_ =	sdelay $0x1  }
0x2d: {  	(xrf2) =	vadd.scan.msk.f32 $0xffff, v6;
	_ =	sdelay $0x9  }
0x2e: {  	v6, _, _ =	vpop (xrf2)  }
0x2f: {  	(v2sf) =	vpush v6, $0xF;
	_ =	sdelay $0xe  }
0x30: {  	s25 =	spop (v2sf)  }
0x31: {  	s25 =	smul.f32 $3.125000000e-02, s25;
	_ =	sdelay $0x1  }
0x32: {  	v26 =	vmov s25  }
0x33: {  	v4 =	vsub.f32 v4, v26;
	v5 =	vsub.f32 v5, v26;
	_ =	sdelay $0x1  }
0x34: {  	v27 =	vmul.f32 v4, v4;
	v28 =	vmul.f32 v5, v5;
	_ =	sdelay $0x1  }
0x35: {  	v6 =	vadd.f32 v28, v27;
	_ =	sdelay $0x1  }
0x36: {  	(xrf2) =	vadd.scan.msk.f32 $0xffff, v6;
	_ =	sdelay $0x9  }
0x37: {  	v6, _, _ =	vpop (xrf2)  }
0x38: {  	(v2sf) =	vpush v6, $0xF;
	_ =	sdelay $0xe  }
0x39: {  	s26 =	spop (v2sf)  }
0x3a: {  	s25 =	smul.f32 $3.125000000e-02, s26;
	_ =	sdelay $0x1  }
0x3b: {  	s25 =	sadd.f32 $9.999999740e-06, s25;
	_ =	sdelay $0x1  }
0x3c: {  	s26 =	sshrl.u32 s25, $0x1;
	s25 =	smul.f32 $5.000000000e-01, s25  }
0x3d: {  	s26 =	ssub.s32 $0x5F3759DF, s26  }
0x3e: {  	s28 =	smul.f32 s26, s25;
	_ =	sdelay $0x1  }
0x3f: {  	s28 =	smul.f32 s26, s28;
	_ =	sdelay $0x1  }
0x40: {  	s28 =	ssub.f32 $1.500000000e+00, s28;
	_ =	sdelay $0x1  }
0x41: {  	s26 =	smul.f32 s26, s28;
	_ =	sdelay $0x1  }
0x42: {  	s28 =	smul.f32 s26, s25;
	_ =	sdelay $0x1  }
0x43: {  	s28 =	smul.f32 s28, s26;
	_ =	sdelay $0x1  }
0x44: {  	s28 =	ssub.f32 $1.500000000e+00, s28;
	_ =	sdelay $0x1  }
0x45: {  	s26 =	smul.f32 s28, s26;
	_ =	sdelay $0x1  }
0x46: {  	s25 =	smul.f32 s26, s25;
	_ =	sdelay $0x1  }
0x47: {  	s25 =	smul.f32 s25, s26;
	_ =	sdelay $0x1  }
0x48: {  	s25 =	ssub.f32 $1.500000000e+00, s25;
	_ =	sdelay $0x1  }
0x49: {  	s25 =	smul.f32 s25, s26;
	_ =	sdelay $0x1  }
0x4a: {  	v4 =	vmul.f32 s25, v4  }
0x4b: {  	v5 =	vmul.f32 s25, v5  }
0x4c: {  	v4 =	vmul.f32 v4, v0  }
0x4d: {  	v5 =	vmul.f32 v5, v1  }
0x4e: {  	v4 =	vadd.f32 v4, v2  }
0x4f: {  	v5 =	vadd.f32 v5, v3  }
0x50: {  	[tilespmem:s24+$0xFFFFFF80] =	vst v4  }
0x51: {  	[tilespmem:s24+$0xFFFFFF90] =	vst v5  }
0x52: {  	v4 =	vld [tilespmem:s22+$0xFFFFFFA0]  }
0x53: {  	v5 =	vld [tilespmem:s23+$0xFFFFFFA0]  }
0x54: {  	v29 =	vld [tilespmem:s22+$0xFFFFFFB0]  }
0x55: {  	v30 =	vld [tilespmem:s23+$0xFFFFFFB0];
	_ =	sdelay $0x4  }
0x56: {  	v4 =	vadd.f32 v5, v4;
	v5 =	vadd.f32 v30, v29;
	_ =	sdelay $0x1  }
0x57: {  	v6 =	vadd.f32 v5, v4;
	_ =	sdelay $0x1  }
0x58: {  	(xrf2) =	vadd.scan.msk.f32 $0xffff, v6;
	_ =	sdelay $0x9  }
0x59: {  	v6, _, _ =	vpop (xrf2)  }
0x5a: {  	(v2sf) =	vpush v6, $0xF;
	_ =	sdelay $0xe  }
0x5b: {  	s28 =	spop (v2sf)  }
0x5c: {  	s25 =	smul.f32 $3.125000000e-02, s28;
	_ =	sdelay $0x1  }
0x5d: {  	v31 =	vmov s25  }
0x5e: {  	v4 =	vsub.f32 v4, v31;
	v5 =	vsub.f32 v5, v31;
	_ =	sdelay $0x1  }
0x5f: {  	v32 =	vmul.f32 v4, v4;
	v33 =	vmul.f32 v5, v5;
	_ =	sdelay $0x1  }
0x60: {  	v6 =	vadd.f32 v33, v32;
	_ =	sdelay $0x1  }
0x61: {  	(xrf2) =	vadd.scan.msk.f32 $0xffff, v6;
	_ =	sdelay $0x9  }
0x62: {  	v6, _, _ =	vpop (xrf2)  }
0x63: {  	(v2sf) =	vpush v6, $0xF;
	_ =	sdelay $0xe  }
0x64: {  	s29 =	spop (v2sf)  }
0x65: {  	s25 =	smul.f32 $3.125000000e-02, s29;
	_ =	sdelay $0x1  }
0x66: {  	s25 =	sadd.f32 $9.999999740e-06, s25;
	_ =	sdelay $0x1  }
0x67: {  	s30 =	sshrl.u32 s25, $0x1;
	s25 =	smul.f32 $5.000000000e-01, s25  }
0x68: {  	s26 =	ssub.s32 $0x5F3759DF, s30  }
0x69: {  	s31 =	smul.f32 s26, s25;
	_ =	sdelay $0x1  }
0x6a: {  	s28 =	smul.f32 s26, s31;
	_ =	sdelay $0x1  }
0x6b: {  	s28 =	ssub.f32 $1.500000000e+00, s28;
	_ =	sdelay $0x1  }
0x6c: {  	s26 =	smul.f32 s26, s28;
	_ =	sdelay $0x1  }
0x6d: {  	s28 =	smul.f32 s26, s25;
	_ =	sdelay $0x1  }
0x6e: {  	s28 =	smul.f32 s28, s26;
	_ =	sdelay $0x1  }
0x6f: {  	s28 =	ssub.f32 $1.500000000e+00, s28;
	_ =	sdelay $0x1  }
0x70: {  	s26 =	smul.f32 s28, s26;
	_ =	sdelay $0x1  }
0x71: {  	s25 =	smul.f32 s26, s25;
	_ =	sdelay $0x1  }
0x72: {  	s25 =	smul.f32 s25, s26;
	_ =	sdelay $0x1  }
0x73: {  	s25 =	ssub.f32 $1.500000000e+00, s25;
	_ =	sdelay $0x1  }
0x74: {  	s25 =	smul.f32 s25, s26;
	_ =	sdelay $0x1  }
0x75: {  	v4 =	vmul.f32 s25, v4  }
0x76: {  	v5 =	vmul.f32 s25, v5  }
0x77: {  	v4 =	vmul.f32 v4, v0  }
0x78: {  	v5 =	vmul.f32 v5, v1  }
0x79: {  	v4 =	vadd.f32 v4, v2  }
0x7a: {  	v5 =	vadd.f32 v5, v3  }
0x7b: {  	[tilespmem:s24+$0xFFFFFFA0] =	vst v4  }
0x7c: {  	[tilespmem:s24+$0xFFFFFFB0] =	vst v5  }
0x7d: {  	v4 =	vld [tilespmem:s22+$0xFFFFFFC0]  }
0x7e: {  	v5 =	vld [tilespmem:s23+$0xFFFFFFC0]  }
0x7f: {  	v34 =	vld [tilespmem:s22+$0xFFFFFFD0]  }
0x80: {  	v35 =	vld [tilespmem:s23+$0xFFFFFFD0];
	_ =	sdelay $0x4  }
0x81: {  	v4 =	vadd.f32 v5, v4;
	v5 =	vadd.f32 v35, v34;
	_ =	sdelay $0x1  }
0x82: {  	v6 =	vadd.f32 v5, v4;
	_ =	sdelay $0x1  }
0x83: {  	(xrf2) =	vadd.scan.msk.f32 $0xffff, v6;
	_ =	sdelay $0x9  }
0x84: {  	v6, _, _ =	vpop (xrf2)  }
0x85: {  	(v2sf) =	vpush v6, $0xF;
	_ =	sdelay $0xe  }
0x86: {  	s28 =	spop (v2sf)  }
0x87: {  	s25 =	smul.f32 $3.125000000e-02, s28;
	_ =	sdelay $0x1  }
0x88: {  	v36 =	vmov s25  }
0x89: {  	v4 =	vsub.f32 v4, v36;
	v5 =	vsub.f32 v5, v36;
	_ =	sdelay $0x1  }
0x8a: {  	v37 =	vmul.f32 v4, v4;
	v38 =	vmul.f32 v5, v5;
	_ =	sdelay $0x1  }
0x8b: {  	v6 =	vadd.f32 v38, v37;
	_ =	sdelay $0x1  }
0x8c: {  	(xrf2) =	vadd.scan.msk.f32 $0xffff, v6;
	_ =	sdelay $0x9  }
0x8d: {  	v6, _, _ =	vpop (xrf2)  }
0x8e: {  	(v2sf) =	vpush v6, $0xF;
	_ =	sdelay $0xe  }
0x8f: {  	s29 =	spop (v2sf)  }
0x90: {  	s25 =	smul.f32 $3.125000000e-02, s29;
	_ =	sdelay $0x1  }
0x91: {  	s25 =	sadd.f32 $9.999999740e-06, s25;
	_ =	sdelay $0x1  }
0x92: {  	s30 =	sshrl.u32 s25, $0x1;
	s25 =	smul.f32 $5.000000000e-01, s25  }
0x93: {  	s26 =	ssub.s32 $0x5F3759DF, s30  }
0x94: {  	s31 =	smul.f32 s26, s25;
	_ =	sdelay $0x1  }
0x95: {  	s28 =	smul.f32 s26, s31;
	_ =	sdelay $0x1  }
0x96: {  	s28 =	ssub.f32 $1.500000000e+00, s28;
	_ =	sdelay $0x1  }
0x97: {  	s26 =	smul.f32 s26, s28;
	_ =	sdelay $0x1  }
0x98: {  	s28 =	smul.f32 s26, s25;
	_ =	sdelay $0x1  }
0x99: {  	s28 =	smul.f32 s28, s26;
	_ =	sdelay $0x1  }
0x9a: {  	s28 =	ssub.f32 $1.500000000e+00, s28;
	_ =	sdelay $0x1  }
0x9b: {  	s26 =	smul.f32 s28, s26;
	_ =	sdelay $0x1  }
0x9c: {  	s25 =	smul.f32 s26, s25;
	_ =	sdelay $0x1  }
0x9d: {  	s25 =	smul.f32 s25, s26;
	_ =	sdelay $0x1  }
0x9e: {  	s25 =	ssub.f32 $1.500000000e+00, s25;
	_ =	sdelay $0x1  }
0x9f: {  	s25 =	smul.f32 s25, s26;
	_ =	sdelay $0x1  }
0xa0: {  	v4 =	vmul.f32 s25, v4  }
0xa1: {  	v5 =	vmul.f32 s25, v5  }
0xa2: {  	v4 =	vmul.f32 v4, v0  }
0xa3: {  	v5 =	vmul.f32 v5, v1  }
0xa4: {  	v4 =	vadd.f32 v4, v2  }
0xa5: {  	v5 =	vadd.f32 v5, v3  }
0xa6: {  	[tilespmem:s24+$0xFFFFFFC0] =	vst v4  }
0xa7: {  	[tilespmem:s24+$0xFFFFFFD0] =	vst v5  }
0xa8: {  	v4 =	vld [tilespmem:s22+$0xFFFFFFE0]  }
0xa9: {  	v5 =	vld [tilespmem:s23+$0xFFFFFFE0]  }
0xaa: {  	v39 =	vld [tilespmem:s22+$0xFFFFFFF0]  }
0xab: {  	v40 =	vld [tilespmem:s23+$0xFFFFFFF0];
	_ =	sdelay $0x4  }
0xac: {  	v4 =	vadd.f32 v5, v4;
	v5 =	vadd.f32 v40, v39;
	_ =	sdelay $0x1  }
0xad: {  	v6 =	vadd.f32 v5, v4;
	_ =	sdelay $0x1  }
0xae: {  	(xrf2) =	vadd.scan.msk.f32 $0xffff, v6;
	_ =	sdelay $0x9  }
0xaf: {  	v6, _, _ =	vpop (xrf2)  }
0xb0: {  	(v2sf) =	vpush v6, $0xF;
	_ =	sdelay $0xe  }
0xb1: {  	s28 =	spop (v2sf)  }
0xb2: {  	s25 =	smul.f32 $3.125000000e-02, s28;
	_ =	sdelay $0x1  }
0xb3: {  	v41 =	vmov s25  }
0xb4: {  	v4 =	vsub.f32 v4, v41;
	v5 =	vsub.f32 v5, v41;
	_ =	sdelay $0x1  }
0xb5: {  	v42 =	vmul.f32 v4, v4;
	v43 =	vmul.f32 v5, v5;
	_ =	sdelay $0x1  }
0xb6: {  	v6 =	vadd.f32 v43, v42;
	_ =	sdelay $0x1  }
0xb7: {  	(xrf2) =	vadd.scan.msk.f32 $0xffff, v6;
	_ =	sdelay $0x9  }
0xb8: {  	v6, _, _ =	vpop (xrf2)  }
0xb9: {  	(v2sf) =	vpush v6, $0xF;
	_ =	sdelay $0xe  }
0xba: {  	s29 =	spop (v2sf)  }
0xbb: {  	s25 =	smul.f32 $3.125000000e-02, s29;
	_ =	sdelay $0x1  }
0xbc: {  	s25 =	sadd.f32 $9.999999740e-06, s25;
	_ =	sdelay $0x1  }
0xbd: {  	s30 =	sshrl.u32 s25, $0x1;
	s25 =	smul.f32 $5.000000000e-01, s25  }
0xbe: {  	s26 =	ssub.s32 $0x5F3759DF, s30  }
0xbf: {  	s31 =	smul.f32 s26, s25;
	_ =	sdelay $0x1  }
0xc0: {  	s28 =	smul.f32 s26, s31;
	_ =	sdelay $0x1  }
0xc1: {  	s28 =	ssub.f32 $1.500000000e+00, s28;
	_ =	sdelay $0x1  }
0xc2: {  	s26 =	smul.f32 s26, s28;
	_ =	sdelay $0x1  }
0xc3: {  	s28 =	smul.f32 s26, s25;
	_ =	sdelay $0x1  }
0xc4: {  	s28 =	smul.f32 s28, s26;
	_ =	sdelay $0x1  }
0xc5: {  	s28 =	ssub.f32 $1.500000000e+00, s28;
	_ =	sdelay $0x1  }
0xc6: {  	s26 =	smul.f32 s28, s26;
	_ =	sdelay $0x1  }
0xc7: {  	s25 =	smul.f32 s26, s25;
	_ =	sdelay $0x1  }
0xc8: {  	s25 =	smul.f32 s25, s26;
	_ =	sdelay $0x1  }
0xc9: {  	s25 =	ssub.f32 $1.500000000e+00, s25;
	_ =	sdelay $0x1  }
0xca: {  	s25 =	smul.f32 s25, s26;
	_ =	sdelay $0x1  }
0xcb: {  	v4 =	vmul.f32 s25, v4  }
0xcc: {  	v5 =	vmul.f32 s25, v5  }
0xcd: {  	v4 =	vmul.f32 v4, v0  }
0xce: {  	v5 =	vmul.f32 v5, v1  }
0xcf: {  	v4 =	vadd.f32 v4, v2  }
0xd0: {  	v5 =	vadd.f32 v5, v3  }
0xd1: {  	[tilespmem:s24+$0xFFFFFFE0] =	vst v4  }
0xd2: {  	[tilespmem:s24+$0xFFFFFFF0] =	vst v5  }
0xd3: {  	v4 =	vld [tilespmem:s22+$0x0]  }
0xd4: {  	v5 =	vld [tilespmem:s23+$0x0]  }
0xd5: {  	v44 =	vld [tilespmem:s22+$0x10]  }
0xd6: {  	v45 =	vld [tilespmem:s23+$0x10];
	_ =	sdelay $0x4  }
0xd7: {  	v4 =	vadd.f32 v5, v4;
	v5 =	vadd.f32 v45, v44;
	_ =	sdelay $0x1  }
0xd8: {  	v6 =	vadd.f32 v5, v4;
	_ =	sdelay $0x1  }
0xd9: {  	(xrf2) =	vadd.scan.msk.f32 $0xffff, v6;
	_ =	sdelay $0x9  }
0xda: {  	v6, _, _ =	vpop (xrf2)  }
0xdb: {  	(v2sf) =	vpush v6, $0xF;
	_ =	sdelay $0xe  }
0xdc: {  	s28 =	spop (v2sf)  }
0xdd: {  	s25 =	smul.f32 $3.125000000e-02, s28;
	_ =	sdelay $0x1  }
0xde: {  	v46 =	vmov s25  }
0xdf: {  	v4 =	vsub.f32 v4, v46;
	v5 =	vsub.f32 v5, v46;
	_ =	sdelay $0x1  }
0xe0: {  	v47 =	vmul.f32 v4, v4;
	v48 =	vmul.f32 v5, v5;
	_ =	sdelay $0x1  }
0xe1: {  	v6 =	vadd.f32 v48, v47;
	_ =	sdelay $0x1  }
0xe2: {  	(xrf2) =	vadd.scan.msk.f32 $0xffff, v6;
	_ =	sdelay $0x9  }
0xe3: {  	v6, _, _ =	vpop (xrf2)  }
0xe4: {  	(v2sf) =	vpush v6, $0xF;
	_ =	sdelay $0xe  }
0xe5: {  	s29 =	spop (v2sf)  }
0xe6: {  	s25 =	smul.f32 $3.125000000e-02, s29;
	_ =	sdelay $0x1  }
0xe7: {  	s25 =	sadd.f32 $9.999999740e-06, s25;
	_ =	sdelay $0x1  }
0xe8: {  	s30 =	sshrl.u32 s25, $0x1;
	s25 =	smul.f32 $5.000000000e-01, s25  }
0xe9: {  	s26 =	ssub.s32 $0x5F3759DF, s30  }
0xea: {  	s31 =	smul.f32 s26, s25;
	_ =	sdelay $0x1  }
0xeb: {  	s28 =	smul.f32 s26, s31;
	_ =	sdelay $0x1  }
0xec: {  	s28 =	ssub.f32 $1.500000000e+00, s28;
	_ =	sdelay $0x1  }
0xed: {  	s26 =	smul.f32 s26, s28;
	_ =	sdelay $0x1  }
0xee: {  	s28 =	smul.f32 s26, s25;
	_ =	sdelay $0x1  }
0xef: {  	s28 =	smul.f32 s28, s26;
	_ =	sdelay $0x1  }
0xf0: {  	s28 =	ssub.f32 $1.500000000e+00, s28;
	_ =	sdelay $0x1  }
0xf1: {  	s26 =	smul.f32 s28, s26;
	_ =	sdelay $0x1  }
0xf2: {  	s25 =	smul.f32 s26, s25;
	_ =	sdelay $0x1  }
0xf3: {  	s25 =	smul.f32 s25, s26;
	_ =	sdelay $0x1  }
0xf4: {  	s25 =	ssub.f32 $1.500000000e+00, s25;
	_ =	sdelay $0x1  }
0xf5: {  	s25 =	smul.f32 s25, s26;
	_ =	sdelay $0x1  }
0xf6: {  	v4 =	vmul.f32 s25, v4  }
0xf7: {  	v5 =	vmul.f32 s25, v5  }
0xf8: {  	v4 =	vmul.f32 v4, v0  }
0xf9: {  	v5 =	vmul.f32 v5, v1  }
0xfa: {  	v4 =	vadd.f32 v4, v2  }
0xfb: {  	v5 =	vadd.f32 v5, v3  }
0xfc: {  	[tilespmem:s24+$0x0] =	vst v4  }
0xfd: {  	[tilespmem:s24+$0x10] =	vst v5  }
0xfe: {  	v4 =	vld [tilespmem:s22+$0x20]  }
0xff: {  	v5 =	vld [tilespmem:s23+$0x20]  }
0x100: {  	v49 =	vld [tilespmem:s22+$0x30]  }
0x101: {  	v50 =	vld [tilespmem:s23+$0x30];
	_ =	sdelay $0x4  }
0x102: {  	v4 =	vadd.f32 v5, v4;
	v5 =	vadd.f32 v50, v49;
	_ =	sdelay $0x1  }
0x103: {  	v6 =	vadd.f32 v5, v4;
	_ =	sdelay $0x1  }
0x104: {  	(xrf2) =	vadd.scan.msk.f32 $0xffff, v6;
	_ =	sdelay $0x9  }
0x105: {  	v6, _, _ =	vpop (xrf2)  }
0x106: {  	(v2sf) =	vpush v6, $0xF;
	_ =	sdelay $0xe  }
0x107: {  	s28 =	spop (v2sf)  }
0x108: {  	s25 =	smul.f32 $3.125000000e-02, s28;
	_ =	sdelay $0x1  }
0x109: {  	v51 =	vmov s25  }
0x10a: {  	v4 =	vsub.f32 v4, v51;
	v5 =	vsub.f32 v5, v51;
	_ =	sdelay $0x1  }
0x10b: {  	v52 =	vmul.f32 v4, v4;
	v53 =	vmul.f32 v5, v5;
	_ =	sdelay $0x1  }
0x10c: {  	v6 =	vadd.f32 v53, v52;
	_ =	sdelay $0x1  }
0x10d: {  	(xrf2) =	vadd.scan.msk.f32 $0xffff, v6;
	_ =	sdelay $0x9  }
0x10e: {  	v6, _, _ =	vpop (xrf2)  }
0x10f: {  	(v2sf) =	vpush v6, $0xF;
	_ =	sdelay $0xe  }
0x110: {  	s29 =	spop (v2sf)  }
0x111: {  	s25 =	smul.f32 $3.125000000e-02, s29;
	_ =	sdelay $0x1  }
0x112: {  	s25 =	sadd.f32 $9.999999740e-06, s25;
	_ =	sdelay $0x1  }
0x113: {  	s30 =	sshrl.u32 s25, $0x1;
	s25 =	smul.f32 $5.000000000e-01, s25  }
0x114: {  	s26 =	ssub.s32 $0x5F3759DF, s30  }
0x115: {  	s31 =	smul.f32 s26, s25;
	_ =	sdelay $0x1  }
0x116: {  	s28 =	smul.f32 s26, s31;
	_ =	sdelay $0x1  }
0x117: {  	s28 =	ssub.f32 $1.500000000e+00, s28;
	_ =	sdelay $0x1  }
0x118: {  	s26 =	smul.f32 s26, s28;
	_ =	sdelay $0x1  }
0x119: {  	s28 =	smul.f32 s26, s25;
	_ =	sdelay $0x1  }
0x11a: {  	s28 =	smul.f32 s28, s26;
	_ =	sdelay $0x1  }
0x11b: {  	s28 =	ssub.f32 $1.500000000e+00, s28;
	_ =	sdelay $0x1  }
0x11c: {  	s26 =	smul.f32 s28, s26;
	_ =	sdelay $0x1  }
0x11d: {  	s25 =	smul.f32 s26, s25;
	_ =	sdelay $0x1  }
0x11e: {  	s25 =	smul.f32 s25, s26;
	_ =	sdelay $0x1  }
0x11f: {  	s25 =	ssub.f32 $1.500000000e+00, s25;
	_ =	sdelay $0x1  }
0x120: {  	s25 =	smul.f32 s25, s26;
	_ =	sdelay $0x1  }
0x121: {  	v4 =	vmul.f32 s25, v4  }
0x122: {  	v5 =	vmul.f32 s25, v5  }
0x123: {  	v4 =	vmul.f32 v4, v0  }
0x124: {  	v5 =	vmul.f32 v5, v1  }
0x125: {  	v4 =	vadd.f32 v4, v2  }
0x126: {  	v5 =	vadd.f32 v5, v3  }
0x127: {  	[tilespmem:s24+$0x20] =	vst v4  }
0x128: {  	[tilespmem:s24+$0x30] =	vst v5  }
0x129: {  	v4 =	vld [tilespmem:s22+$0x40]  }
0x12a: {  	v5 =	vld [tilespmem:s23+$0x40]  }
0x12b: {  	v54 =	vld [tilespmem:s22+$0x50]  }
0x12c: {  	v55 =	vld [tilespmem:s23+$0x50];
	_ =	sdelay $0x4  }
0x12d: {  	v4 =	vadd.f32 v5, v4;
	v5 =	vadd.f32 v55, v54;
	_ =	sdelay $0x1  }
0x12e: {  	v6 =	vadd.f32 v5, v4;
	_ =	sdelay $0x1  }
0x12f: {  	(xrf2) =	vadd.scan.msk.f32 $0xffff, v6;
	_ =	sdelay $0x9  }
0x130: {  	v6, _, _ =	vpop (xrf2)  }
0x131: {  	(v2sf) =	vpush v6, $0xF;
	_ =	sdelay $0xe  }
0x132: {  	s28 =	spop (v2sf)  }
0x133: {  	s25 =	smul.f32 $3.125000000e-02, s28;
	_ =	sdelay $0x1  }
0x134: {  	v56 =	vmov s25  }
0x135: {  	v4 =	vsub.f32 v4, v56;
	v5 =	vsub.f32 v5, v56;
	_ =	sdelay $0x1  }
0x136: {  	v57 =	vmul.f32 v4, v4;
	v58 =	vmul.f32 v5, v5;
	_ =	sdelay $0x1  }
0x137: {  	v6 =	vadd.f32 v58, v57;
	_ =	sdelay $0x1  }
0x138: {  	(xrf2) =	vadd.scan.msk.f32 $0xffff, v6;
	_ =	sdelay $0x9  }
0x139: {  	v6, _, _ =	vpop (xrf2)  }
0x13a: {  	(v2sf) =	vpush v6, $0xF;
	_ =	sdelay $0xe  }
0x13b: {  	s29 =	spop (v2sf)  }
0x13c: {  	s25 =	smul.f32 $3.125000000e-02, s29;
	_ =	sdelay $0x1  }
0x13d: {  	s25 =	sadd.f32 $9.999999740e-06, s25;
	_ =	sdelay $0x1  }
0x13e: {  	s30 =	sshrl.u32 s25, $0x1;
	s25 =	smul.f32 $5.000000000e-01, s25  }
0x13f: {  	s26 =	ssub.s32 $0x5F3759DF, s30  }
0x140: {  	s31 =	smul.f32 s26, s25;
	_ =	sdelay $0x1  }
0x141: {  	s28 =	smul.f32 s26, s31;
	_ =	sdelay $0x1  }
0x142: {  	s28 =	ssub.f32 $1.500000000e+00, s28;
	_ =	sdelay $0x1  }
0x143: {  	s26 =	smul.f32 s26, s28;
	_ =	sdelay $0x1  }
0x144: {  	s28 =	smul.f32 s26, s25;
	_ =	sdelay $0x1  }
0x145: {  	s28 =	smul.f32 s28, s26;
	_ =	sdelay $0x1  }
0x146: {  	s28 =	ssub.f32 $1.500000000e+00, s28;
	_ =	sdelay $0x1  }
0x147: {  	s26 =	smul.f32 s28, s26;
	_ =	sdelay $0x1  }
0x148: {  	s25 =	smul.f32 s26, s25;
	_ =	sdelay $0x1  }
0x149: {  	s25 =	smul.f32 s25, s26;
	_ =	sdelay $0x1  }
0x14a: {  	s25 =	ssub.f32 $1.500000000e+00, s25;
	_ =	sdelay $0x1  }
0x14b: {  	s25 =	smul.f32 s25, s26;
	_ =	sdelay $0x1  }
0x14c: {  	v4 =	vmul.f32 s25, v4  }
0x14d: {  	v5 =	vmul.f32 s25, v5  }
0x14e: {  	v4 =	vmul.f32 v4, v0  }
0x14f: {  	v5 =	vmul.f32 v5, v1  }
0x150: {  	v4 =	vadd.f32 v4, v2  }
0x151: {  	v5 =	vadd.f32 v5, v3  }
0x152: {  	[tilespmem:s24+$0x40] =	vst v4  }
0x153: {  	[tilespmem:s24+$0x50] =	vst v5  }
0x154: {  	v4 =	vld [tilespmem:s22+$0x60]  }
0x155: {  	v5 =	vld [tilespmem:s23+$0x60]  }
0x156: {  	v59 =	vld [tilespmem:s22+$0x70]  }
0x157: {  	v60 =	vld [tilespmem:s23+$0x70];
	_ =	sdelay $0x4  }
0x158: {  	v4 =	vadd.f32 v5, v4;
	v5 =	vadd.f32 v60, v59;
	_ =	sdelay $0x1  }
0x159: {  	v6 =	vadd.f32 v5, v4;
	_ =	sdelay $0x1  }
0x15a: {  	(xrf2) =	vadd.scan.msk.f32 $0xffff, v6;
	_ =	sdelay $0x9  }
0x15b: {  	v6, _, _ =	vpop (xrf2)  }
0x15c: {  	(v2sf) =	vpush v6, $0xF;
	_ =	sdelay $0xe  }
0x15d: {  	s28 =	spop (v2sf)  }
0x15e: {  	s25 =	smul.f32 $3.125000000e-02, s28;
	_ =	sdelay $0x1  }
0x15f: {  	v61 =	vmov s25  }
0x160: {  	v4 =	vsub.f32 v4, v61;
	v5 =	vsub.f32 v5, v61;
	_ =	sdelay $0x1  }
0x161: {  	v62 =	vmul.f32 v4, v4;
	v63 =	vmul.f32 v5, v5;
	_ =	sdelay $0x1  }
0x162: {  	v6 =	vadd.f32 v63, v62;
	_ =	sdelay $0x1  }
0x163: {  	(xrf2) =	vadd.scan.msk.f32 $0xffff, v6;
	_ =	sdelay $0x9  }
0x164: {  	v6, _, _ =	vpop (xrf2)  }
0x165: {  	(v2sf) =	vpush v6, $0xF;
	_ =	sdelay $0xe  }
0x166: {  	s29 =	spop (v2sf)  }
0x167: {  	s25 =	smul.f32 $3.125000000e-02, s29;
	_ =	sdelay $0x1  }
0x168: {  	s25 =	sadd.f32 $9.999999740e-06, s25;
	_ =	sdelay $0x1  }
0x169: {  	s30 =	sshrl.u32 s25, $0x1;
	s25 =	smul.f32 $5.000000000e-01, s25  }
0x16a: {  	s26 =	ssub.s32 $0x5F3759DF, s30  }
0x16b: {  	s31 =	smul.f32 s26, s25;
	_ =	sdelay $0x1  }
0x16c: {  	s28 =	smul.f32 s26, s31;
	_ =	sdelay $0x1  }
0x16d: {  	s28 =	ssub.f32 $1.500000000e+00, s28;
	_ =	sdelay $0x1  }
0x16e: {  	s26 =	smul.f32 s26, s28;
	_ =	sdelay $0x1  }
0x16f: {  	s28 =	smul.f32 s26, s25;
	_ =	sdelay $0x1  }
0x170: {  	s28 =	smul.f32 s28, s26;
	_ =	sdelay $0x1  }
0x171: {  	s28 =	ssub.f32 $1.500000000e+00, s28;
	_ =	sdelay $0x1  }
0x172: {  	s26 =	smul.f32 s28, s26;
	_ =	sdelay $0x1  }
0x173: {  	s25 =	smul.f32 s26, s25;
	_ =	sdelay $0x1  }
0x174: {  	s25 =	smul.f32 s25, s26;
	_ =	sdelay $0x1  }
0x175: {  	s25 =	ssub.f32 $1.500000000e+00, s25;
	_ =	sdelay $0x1  }
0x176: {  	s25 =	smul.f32 s25, s26;
	_ =	sdelay $0x1  }
0x177: {  	v4 =	vmul.f32 s25, v4  }
0x178: {  	s21 =	sadd.s32 $0x8, s21;
	v5 =	vmul.f32 s25, v5  }
0x179: {  	p0 =	slt.u32 s21, $0xC0;
	v4 =	vmul.f32 v4, v0  }
.Ltmp0:
0x17a: {  	v5 =	vmul.f32 v5, v1;
	(pc) =	sbr.rel @p0 .LBB2_3-.Ltmp0, $4  }
0x17b: {  	v4 =	vadd.f32 v4, v2  }
0x17c: {  	v5 =	vadd.f32 v5, v3  }
0x17d: {  	[tilespmem:s24+$0x60] =	vst v4  }
0x17e: {  	s22 =	sadd.s32 $0x100, s22;
	s23 =	sadd.s32 $0x100, s23;
	[tilespmem:s24+$0x70] =	vst v5;
	s24 =	sadd.s32 $0x100, s24  }
0x17f: {  	s21 =	sadd.s32 s6, s20  }
0x180: {  	s20 =	sadd.s32 $0x1, s20;
	s21 =	smul.u32 $0x320, s21  }
0x181: {  	p0 =	sne.s32 s20, $0x80  }
.Ltmp1:
0x182: {  	s21 =	sadd.s32 s4, s21;
	(pc) =	sbr.rel @p0 .LBB2_2-.Ltmp1, $4  }
0x183: {  	[hbm4b:s21+s5] =	stream.linear.scatter [tilespmem:s18], [sflag:$0x2], $0x1900, $0x38;
	[tilespmem:$0xAF40] =	vst v63  }
0x184: {  	_ =	swait.ge [sflag:s11], $0x1900  }
0x185: {  	[sflag:s11] =	ssyncset.done $0x0  }
0x186: {  	[sflag:s11] =	ssyncadd.s32 $0xFFFFE700  }
0x187: {  	s19 =	sadd.s32 $0x1, s19  }
0x188: {  	p0 =	sne.s32 s19, s10  }
.Ltmp2:
0x189: {  	_ = 	snop;
	(pc) =	sbr.rel @p0 .LBB2_1-.Ltmp2, $1  }
0x18a: {  	_ =	sdelay $0x3  }
0x18b: {  	_ =	sfence.sel $0x180000  }
0x18c: {  	[bflag:$0x0] =	sbarrier.arrive $0xFFFF  }
0x18d: {  	p0 =	sne.s32 s0, $0x0;
	_ =	strace $0x90000047  }
0x18e: {  	s0 =	sadd.s32 @!p0 $0x100000, s2;
	[bflag:$0x2] =	sbarrier.arrive $0xFFFF  }
0x18f: {  	[sflag:s0] =	ssyncadd.tile.s32 @!p0 $0x1;
	_ =	shalt  }
.Lfunc_end2:
_tile_overlayer_lowered:
.L_overlay_start_2:
0x190: {  	(tag) =	ssettag $0x2  }
0x191: {  	s0 =	rddreg [dreg:$0x0];
	s2 =	stileid.u32  }
0x192: {  	s1 =	rddreg [dreg:$0x1];
	p0 =	sne.s32 s2, $0x0  }
0x193: {  	s3 =	rddreg [dreg:$0x2];
	[bflag:$0x3] =	sbarrier.arrive $0xFFFF;
	s2 =	simm.s32 @!p0 $0x1C02  }
0x194: {  	[timem:s3], [sflag:s2] =	dma.local @!p0 [hbm:s0], s1  }
0x195: {  	s0 =	simm.s32 @!p0 $0x2  }
0x196: {  	_ =	swait.ge @!p0 [sflag:s0], s1  }
0x197: {  	s1 =	ssub.s32 @!p0 $0x0, s1;
	[sflag:s0] =	ssyncset.done @!p0 $0x0  }
0x198: {  	[sflag:s0] =	ssyncadd.s32 @!p0 s1  }
0x199: {  	[bflag:$0x3] =	sbarrier.arrive $0xFFFF  }
0x19a: {  	_ =	shalt  }

// kernel: sparse-core-data-format-call.cloned.1.call-start
scs
called_computation_lowered:
.L_overlay_start_0:
0x0: {  	s2 =	sld [smem:$0x3FD9]  }
0x1: {  	s3 =	sld [smem:$0x3FFE];
	_ =	sdelay $0x1  }
0x2: {  	s1 =	srdreg.scid  }
0x3: {  	s0 =	sand.u32 $0x1, s1  }
0x4: {  	s18 =	sshll.u32 s0, $0xA;
	s2 =	sadd.s32 s3, s2  }
0x5: {  	s2 =	sadd.s32 s2, s18  }
0x6: {  	[smem:$0x3FC3] =	sst s2  }
0x7: {  	_ = 	snop  }
0x8: {  	s2 =	sld [smem:$0x3FD0];
	(tm) =	ssettm $0x1  }
0x9: {  	s19 =	sld [smem:$0x3FFB];
	_ =	sdelay $0x3  }
0xa: {  	_ =	strace s19  }
0xb: {  	s3 =	sld [smem:$0x3FFC];
	_ =	sdelay $0x3  }
0xc: {  	_ =	strace s3  }
0xd: {  	s3 =	sld [smem:$0x3FFD];
	_ =	sdelay $0x3  }
0xe: {  	_ =	strace s3  }
0xf: {  	_ =	strace $0x8FFFFFFF  }
0x10: {  	s20 =	sld [smem:$0x3FDB];
	_ =	sdelay $0x1  }
0x11: {  	s4 =	simm.s32 $_scs_section_size  }
0x12: {  	s5 =	simm.s32 $_size__tile_overlayer_lowered;
	s6 =	simm.s32 $_tile_overlayer_lowered  }
0x13: {  	s23 =	simm.s32 $0x1BFF;
	s22 =	sshll.u32 s6, $0x1;
	s3 =	sadd.s32 s4, s20  }
0x14: {  	s7 =	simm.s32 $0x0;
	s21 =	sshll.u32 s5, $0x1;
	s5 =	sadd.s32 s22, s3  }
0x15: {  	[timem:s7], [sflag:s23] =	dma.local [hbm:s5], s21  }
0x16: {  	_ =	swait.ge [sflag:s23], s21  }
0x17: {  	s4 =	ssub.s32 $0x0, s21;
	[sflag:s23] =	ssyncset.done $0x0  }
0x18: {  	[sflag:s23] =	ssyncadd.s32 s4;
	_ =	sdelay $0x1  }
0x19: {  	s24 =	simm.s32 $0x1B8B  }
0x1a: {  	_ =	swait.ge [sflag:s24], $0x1  }
0x1b: {  	[sflag:s24] =	ssyncset.done $0x0  }
0x1c: {  	s26 =	simm.s32 $0x1B8E;
	s25 =	sld [smem:$0x3FFE];
	[sflag:s24] =	ssyncadd.s32 $0xFFFFFFFF  }
0x1d: {  	s27 =	simm.s32 $execute0_lowered;
	[smem:$0x3FD2] =	sst s26  }
0x1e: {  	s5 =	sshll.u32 s27, $0x1;
	_ =	strace $0x80000049;
	[dreg:$0x1] =	wrdreg $0xFFFFFFFF  }
0x1f: {  	s28 =	simm.s32 $_size_execute0_lowered;
	s3 =	sadd.s32 s3, s5;
	[dreg:$0x0] =	wrdreg $0x0  }
0x20: {  	s5 =	sshll.u32 s28, $0x1;
	[dreg:$0x2] =	wrdreg s3  }
0x21: {  	[dreg:$0x3] =	wrdreg s5  }
0x22: {  	[dreg:$0x4] =	wrdreg $0xC0  }
0x23: {  	_ =	task [dreg:s7], $0x5FFFF  }
0x24: {  	[dreg:$0x1] =	wrdreg $0xFFFFFFFF  }
0x25: {  	[dreg:$0x0] =	wrdreg $0x60  }
0x26: {  	[dreg:$0x2] =	wrdreg s25  }
0x27: {  	[dreg:$0x3] =	wrdreg s2  }
0x28: {  	[dreg:$0x4] =	wrdreg $0x9  }
0x29: {  	_ =	task.clear_ibuf [dreg:s7], $0x5FFFF;
	_ =	strace $0x90000049  }
0x2a: {  	s29 =	simm.s32 $0x9;
	_ =	strace $0x8000004B  }
0x2b: {  	_ =	swait.ge [sflag:s29], $0x1  }
0x2c: {  	[sflag:s29] =	ssyncadd.s32 $0xFFFFFFFF  }
0x2d: {  	_ =	strace $0x9000004B  }
0x2e: {  	_ =	sfence  }
0x2f: {  	s30 =	sld [smem:$0x0];
	_ =	sdelay $0x2  }
0x30: {  	s31 =	sshll.u32 s1, $0xD;
	s1 =	sshrl.u32 s1, $0x2  }
0x31: {  	s3 =	sand.u32 $0x4000, s31;
	s1 =	sadd.s32 s1, s30  }
0x32: {  	s0 =	sor.u32 s3, s0;
	s1 =	sshll.u32 s1, $0x11  }
0x33: {  	s0 =	sor.u32 s1, s0  }
0x34: {  	s0 =	sadd.s32 $0x8F2B, s0  }
0x35: {  	[sflag:s0] =	ssyncadd.remote.s32 $0x1  }
0x36: {  	_ =	sfence.sel $0xFFFF  }
0x37: {  	[dreg:$0x0] =	wrdreg $0xFFFFFFFF;
	(pc) =	sbr.abs _section_cstart, $3  }
0x38: {  	[dreg:$0x1] =	wrdreg $0xFFFFFFFF  }
0x39: {  	_ =	task.clear_ibuf [dreg:s7], $0x2FFFF;
	_ =	strace $0x9FFFFFFF  }
0x3a: {  	(tm) =	ssettm $0x7FFFFFFF  }
0x3b: {  	_ =	shalt  }
tec
execute0_lowered:
.L_overlay_start_1:
0x0: {  	(tag) =	ssettag $0x1  }
0x1: {  	s0 =	srdreg.scid  }
0x2: {  	s1 =	sshll.u32 s0, $0x4  }
0x3: {  	s0 =	stileid.u32;
	s1 =	sand.u32 $0x10, s1  }
0x4: {  	s1 =	sor.u32 s0, s1  }
0x5: {  	s6 =	rddreg [dreg:$0x0];
	s4 =	simm.s32 $0x1;
	s2 =	sshll.u32 s1, $0x7  }
0x6: {  	s7 =	simm.s32 $0x2;
	s12 =	simm.s32 $0x0;
	s1 =	ssub.s32 $0x1000, s2  }
0x7: {  	s8 =	simm.s32 $0x8000;
	s13 =	simm.s32 $0x0;
	s3 =	sand.u32 $0xF80, s1  }
0x8: {  	s9 =	simm.s32 $0x0;
	s5 =	sshrl.u32 s1, $0xC;
	p0 =	sne.s32 s3, $0x0  }
.Ltmp0:
0x9: {  	s1 =	rddreg [dreg:$0x2];
	s4 =	simm.s32 @!p0 $0x0;
	(pc) =	sbr.rel .LBB1_1-.Ltmp0, $4  }
0xa: {  	s11 =	simm.s32 $0x0;
	s3 =	rddreg [dreg:$0x1];
	s5 =	sadd.s32 s4, s5  }
0xb: {  	_ =	strace $0x8000004A;
	s4 =	simm.s32 $0x1;
	s5 =	smul.u32 $0xC8, s5  }
0xc: {  	s6 =	sadd.s32 $0xC00, s6;
	s10 =	smov.u32 s2;
	[sflag:s4] =	ssyncpa.u1 $0x0  }
0xd: {  	p0 =	por $0x0, $0x0;
	[sflag:s7] =	ssyncpa.u1 $0x0;
	s7 =	sor.u32 $0x1, s5  }
.LBB1_4:
0xe: {  	s16 =	sshll.u32 s13, $0x3;
	s17 =	sand.u32 $0x78, s13  }
0xf: {  	s30 =	sand.u32 $0x3E00, s13;
	s12 =	sshll.u32 s12, $0xE;
	s16 =	sand.u32 $0xC00, s16  }
0x10: {  	s31 =	sand.u32 $0x7, s13;
	s16 =	sor.u32 s17, s16;
	s17 =	sadd.s32 s3, s30  }
0x11: {  	s13 =	sshll.u32 s31, $0x12;
	s16 =	sshrl.u32 s16, $0x3;
	s12 =	sadd.s32 s12, s17  }
0x12: {  	[tilespmem:s15+$0x0 ss:$0x81] =	vst.msk $0xffff, v0;
	s13 =	sor.u32 $0x400, s13;
	s12 =	sadd.s32 s16, s12  }
0x13: {  	[hbm4b:s12+s13] =	stream.strided.scatter [tilespmem:s14], [sflag:$0x2], $0x1000, s8, s13, $0x20;
	[tilespmem:$0x4040] =	vst v63  }
.LBB1_5:
0x14: {  	s14 =	sadd.s32 $0x1, s9  }
0x15: {  	s12 =	sadd.s32 $0x1000, s10;
	s16 =	smov.u32 s10;
	p2 =	sgt.s32 s14, $0xC7  }
0x16: {  	s16 =	smov.u32 @p2 s12  }
0x17: {  	s14 =	simm.s32 @p2 $0x0;
	p2 =	sgt.s32 s16, $0xFFF  }
0x18: {  	s16 =	smov.u32 @p2 s2;
	p2 =	sne.s32 s11, s7  }
.Ltmp1:
0x19: {  	p1 =	slt.u32 s11, $0x2;
	(pc) =	sbr.rel @!p2 .LBB1_6-.Ltmp1, $4  }
0x1a: {  	s15 =	simm.s32 @!p1 $0x2  }
0x1b: {  	s13 =	smov.u32 s10;
	p0 =	por !p0, !p0;
	_ =	swait.ge @!p1 [sflag:s15], $0x1000  }
0x1c: {  	s12 =	smov.u32 s9;
	[sflag:s15] =	ssyncset.done @!p1 $0x0;
	s9 =	smov.u32 s14  }
0x1d: {  	s11 =	sadd.s32 $0x1, s11;
	[sflag:s15] =	ssyncadd.s32 @!p1 $0xFFFFF000;
	s10 =	smov.u32 s16  }
.LBB1_1:
0x1e: {  	p1 =	sge.u32 s11, s5  }
0x1f: {  	s14 =	sand.u32 @!p1 $0x1FFFFFF, s9  }
0x20: {  	s15 =	smulhi.u32 @!p1 $0x147AE15, s14;
	_ =	sdelay $0x1  }
0x21: {  	s15 =	smul.u32 @!p1 $0xC8, s15  }
0x22: {  	s16 =	sxor.u32 @!p1 $0xFFFFFFFF, s11;
	s17 =	smul.u32 @!p1 $0xC80, s10  }
0x23: {  	s31 =	sadd.s32 $0xFFFFFFFF, s11;
	s16 =	sshll.u32 @!p1 s16, $0xC;
	s14 =	ssub.s32 @!p1 s14, s15  }
0x24: {  	s15 =	sand.u32 @!p1 $0x1000, s16;
	s16 =	sadd.s32 @!p1 s6, s17;
	s14 =	sshll.u32 @!p1 s14, $0x4  }
0x25: {  	s17 =	simm.s32 @!p1 $0x6400;
	s14 =	sadd.s32 @!p1 s14, s16;
	s16 =	simm.s32 @!p1 $0x20  }
0x26: {  	[tilespmem:s15], [sflag:$0x1] =	stream.strided.gather @!p1 [hbm4b:s14+s16], $0x1000, s17, s16, $0x38;
	[tilespmem:$0x4040] =	vst v63  }
0x27: {  	p1 =	sge.u32 s31, s5  }
.Ltmp2:
0x28: {  	_ = 	snop;
	(pc) =	sbr.rel @p1 .LBB1_5-.Ltmp2, $1  }
0x29: {  	_ =	sdelay $0x3  }
0x2a: {  	s14 =	simm.s32 $0x1  }
0x2b: {  	_ =	swait.ge [sflag:s4], $0x1000;
	s14 =	simm.s32 @!p0 $0x0  }
0x2c: {  	[sflag:s4] =	ssyncset.done $0x0;
	s15 =	sshll.u32 s14, $0xC  }
0x2d: {  	[sflag:s4] =	ssyncadd.s32 $0xFFFFF000;
	s18 =	sor.u32 $0x10, s15  }
0x2e: {  	s14 =	smul.u32 $0x4080, s14;
	v1 =	vld [tilespmem:s18+$0x0]  }
0x2f: {  	s30 =	sand.u32 $0x1, s11;
	v0 =	vld [tilespmem:s18+$0xFFFFFFF0]  }
0x30: {  	s15 =	smul.u32 $0x4080, s30;
	s14 =	sshrl.u32 s14, $0x2  }
0x31: {  	s16 =	sor.u32 $0x2000, s14  }
0x32: {  	s31 =	sshrl.u32 s15, $0x2;
	s15 =	sadd.s32 $0x0, s16  }
0x33: {  	s17 =	simm.s32 $0x4;
	s18 =	sadd.s32 $0x20, s18;
	s14 =	sor.u32 $0x2000, s31;
	[tilespmem:s15+$0x810 ss:$0x81] =	vst.msk $0xffff, v1  }
.LBB1_3:
0x34: {  	v1 =	vld [tilespmem:s18+$0x0];
	p1 =	sne.s32 s17, $0x1FC;
	[tilespmem:s15+$0x0 ss:$0x81] =	vst.msk $0xffff, v0;
	s15 =	smov.u32 s17;
	s17 =	sadd.s32 $0x4, s17  }
.Ltmp3:
0x35: {  	v0 =	vld [tilespmem:s18+$0xFFFFFFF0];
	(pc) =	sbr.rel @p1 .LBB1_3-.Ltmp3, $4  }
0x36: {  	_ = 	snop  }
0x37: {  	s15 =	sshra.s32 s15, $0x2  }
0x38: {  	s15 =	sadd.s32 s15, s16  }
0x39: {  	s18 =	sadd.s32 $0x20, s18;
	[tilespmem:s15+$0x810 ss:$0x81] =	vst.msk $0xffff, v1  }
.Ltmp4:
0x3a: {  	_ = 	snop;
	(pc) =	sbr.rel .LBB1_4-.Ltmp4, $1  }
0x3b: {  	_ =	sdelay $0x3  }
.LBB1_6:
0x3c: {  	_ =	sfence.sel $0x180000  }
0x3d: {  	s2 =	simm.s32 $0x1;
	[bflag:$0x0] =	sbarrier.arrive $0xFFFF  }
0x3e: {  	s31 =	simm.s32 $0x2;
	[sflag:s2] =	ssyncpa.u1 $0x1  }
0x3f: {  	[sflag:s31] =	ssyncpa.u1 $0x1  }
0x40: {  	p0 =	sne.s32 s0, $0x0;
	_ =	strace $0x9000004A  }
0x41: {  	s0 =	sadd.s32 @!p0 $0x100000, s1;
	[bflag:$0x2] =	sbarrier.arrive $0xFFFF  }
0x42: {  	[sflag:s0] =	ssyncadd.tile.s32 @!p0 $0x1;
	_ =	shalt  }
.Lfunc_end1:
_tile_overlayer_lowered:
.L_overlay_start_2:
0x43: {  	(tag) =	ssettag $0x2  }
0x44: {  	s0 =	rddreg [dreg:$0x0];
	s2 =	stileid.u32  }
0x45: {  	s1 =	rddreg [dreg:$0x1];
	p0 =	sne.s32 s2, $0x0  }
0x46: {  	s3 =	rddreg [dreg:$0x2];
	[bflag:$0x3] =	sbarrier.arrive $0xFFFF;
	s2 =	simm.s32 @!p0 $0x1C01  }
0x47: {  	[timem:s3], [sflag:s2] =	dma.local @!p0 [hbm:s0], s1  }
0x48: {  	s0 =	simm.s32 @!p0 $0x1  }
0x49: {  	_ =	swait.ge @!p0 [sflag:s0], s1  }
0x4a: {  	s1 =	ssub.s32 @!p0 $0x0, s1;
	[sflag:s0] =	ssyncset.done @!p0 $0x0  }
0x4b: {  	[sflag:s0] =	ssyncadd.s32 @!p0 s1  }
0x4c: {  	[bflag:$0x3] =	sbarrier.arrive $0xFFFF  }
0x4d: {  	_ =	shalt  }

</sc_bundles>
